<compile_context>
chip_gen: v7x
topology: tpu7x:2x2x1
jax: 0.10.2.dev20260603
libtpu: 0.0.44.dev20260713+nightly
codegen_flags: <defaults>
</compile_context>

<pallas_src>
import functools

import jax
import jax.numpy as jnp
import numpy as np
from jax import lax
from jax.experimental import pallas as pl
from jax.experimental.pallas import tpu as pltpu
from jax.experimental.pallas import tpu_sc as plsc

_VOCAB = 1000
_EMBED = 64
_N_OUT = 10
_BATCH = 4096
_SEQ = 200

_NC = 2
_NS = 16
_NW = _NC * _NS
_ROWS = _BATCH // _NW
_L = 16
_WPR = _EMBED // 2
_PCH = _WPR // _L
_NCHUNK = (_SEQ + _L - 1) // _L
_VPAD = 1024
_TPT = _VPAD // _NS
_PUNROLL = 4
_OSTRIDE = 128


def _sc_pool(idx_t, table_pad):
    mesh = plsc.VectorSubcoreMesh(
        core_axis_name="c", subcore_axis_name="s",
        num_cores=_NC, num_subcores=_NS)

    @functools.partial(
        pl.kernel,
        out_type=jax.ShapeDtypeStruct((_BATCH * _OSTRIDE,), jnp.int32),
        mesh=mesh,
        scratch_types=[
            pltpu.VMEM((_TPT, _EMBED), jnp.float32),
            pltpu.VMEM((_VPAD * _WPR,), jnp.int32),
            pltpu.VMEM((_SEQ, _ROWS), jnp.int32),
            pltpu.VMEM((_ROWS * _OSTRIDE,), jnp.int32),
            pltpu.VMEM_SHARED((_VPAD * _WPR,), jnp.int32),
            pltpu.SemaphoreType.DMA,
        ],
        compiler_params=pltpu.CompilerParams(needs_layout_passes=False),
    )
    def k(idx_hbm, table_hbm, out_hbm, tf32_v, table_v, idx_v,
          out_v, shared_v, idx_sem):
        sid = lax.axis_index("s")
        wid = sid * _NC + lax.axis_index("c")
        idx_cpy = pltpu.async_copy(
            idx_hbm.at[:, pl.ds(wid * _ROWS, _ROWS)], idx_v, idx_sem)

        pltpu.sync_copy(table_hbm.at[pl.ds(sid * _TPT, _TPT)], tf32_v)

        def pack_body(i, carry):
            for dr in range(_PUNROLL):
                r = i * _PUNROLL + dr
                for h2 in range(_PCH):
                    a = tf32_v[r, pl.ds(h2 * 32, _L)]
                    b = tf32_v[r, pl.ds(h2 * 32 + _L, _L)]
                    w = plsc.pack(a, b, format=plsc.PackFormat.INTERLEAVED)
                    out_v[pl.ds(r * _WPR + h2 * _L, _L)] = plsc.bitcast(
                        w, jnp.int32)
            return carry

        lax.fori_loop(0, _TPT // _PUNROLL, pack_body, 0)
        pltpu.sync_copy(out_v.at[pl.ds(0, _TPT * _WPR)],
                        shared_v.at[pl.ds(sid * (_TPT * _WPR), _TPT * _WPR)])
        plsc.subcore_barrier()
        pltpu.sync_copy(shared_v, table_v)
        idx_cpy.wait()

        lane_off = [lax.iota(jnp.int32, _L) + (ci * _L) for ci in range(_PCH)]
        tok_iota = lax.iota(jnp.int32, _L)
        neg = jnp.full((2 * _L,), -jnp.inf, jnp.bfloat16)

        def row_body(r, carry):
            rvec = jnp.full((_L,), r, jnp.int32)

            def chunk_body(c, accs):
                start = jnp.minimum(c * _L, _SEQ - _L)
                base = plsc.load_gather(idx_v, [tok_iota + start, rvec]) * _WPR
                for t in range(_L):
                    tb = base.at[jnp.full((_L,), t, jnp.int32)].get(
                        mode="promise_in_bounds")
                    accs = tuple(
                        jnp.maximum(a, plsc.bitcast(
                            plsc.load_gather(table_v, [tb + lane_off[ci]]),
                            jnp.bfloat16))
                        for ci, a in enumerate(accs))
                return accs

            accs = lax.fori_loop(0, _NCHUNK, chunk_body, (neg,) * _PCH)
            for ci in range(_PCH):
                out_v[pl.ds(r * _OSTRIDE + ci * _L, _L)] = plsc.bitcast(
                    accs[ci], jnp.int32)
            return carry

        lax.fori_loop(0, _ROWS, row_body, 0)
        pltpu.sync_copy(out_v,
                        out_hbm.at[pl.ds(wid * (_ROWS * _OSTRIDE),
                                         _ROWS * _OSTRIDE)])

    return k(idx_t, table_pad)


_PAD_OUT = 128
_PERM_LO = np.array([h2 * 32 + k for h2 in range(_PCH) for k in range(_L)])
_PERM_HI = _PERM_LO + _L


def _tc_head(pooled_packed, w_lo, w_hi, b_pad):
    blk = 512

    def body(p_ref, wl_ref, wh_ref, b_ref, o_ref):
        x = p_ref[...][:, :_WPR]
        lo = lax.bitcast_convert_type(x << 16, jnp.float32)
        hi = lax.bitcast_convert_type(
            x & jnp.int32(-65536), jnp.float32)
        dn = (((0,), (1,)), ((), ()))
        logits = (lax.dot_general(wl_ref[...], lo, dn,
                                  preferred_element_type=jnp.float32)
                  + lax.dot_general(wh_ref[...], hi, dn,
                                    preferred_element_type=jnp.float32)
                  + b_ref[...])
        m = jnp.max(logits, axis=0, keepdims=True)
        e = jnp.exp(logits - m)
        o_ref[...] = e / jnp.sum(e, axis=0, keepdims=True)

    return pl.pallas_call(
        body,
        grid=(_BATCH // blk,),
        in_specs=[
            pl.BlockSpec((blk, _OSTRIDE), lambda i: (i, 0)),
            pl.BlockSpec((_WPR, _PAD_OUT), lambda i: (0, 0)),
            pl.BlockSpec((_WPR, _PAD_OUT), lambda i: (0, 0)),
            pl.BlockSpec((_PAD_OUT, 1), lambda i: (0, 0)),
        ],
        out_specs=pl.BlockSpec((_PAD_OUT, blk), lambda i: (0, i)),
        out_shape=jax.ShapeDtypeStruct((_PAD_OUT, _BATCH), jnp.float32),
    )(pooled_packed, w_lo, w_hi, b_pad)


def kernel(inputs, table, W, b):
    table_pad = jnp.pad(table, ((0, _VPAD - _VOCAB), (0, 0)))
    pooled_packed = _sc_pool(inputs.T, table_pad).reshape(_BATCH, _OSTRIDE)
    pad = ((0, 0), (0, _PAD_OUT - _N_OUT))
    w_lo = jnp.pad(W[_PERM_LO, :], pad)
    w_hi = jnp.pad(W[_PERM_HI, :], pad)
    b_pad = jnp.pad(b, (0, _PAD_OUT - _N_OUT),
                    constant_values=-1e30).reshape(_PAD_OUT, 1)
    out_t = _tc_head(pooled_packed, w_lo, w_hi, b_pad)
    return out_t[:_N_OUT, :].T

# --- scband reference (transcript-rebuilt; emitter-appended) ---
"""Pipeline reference for scband-xswem-27247272526453 (READ-ONLY COPY).

The authoritative reference and input builder live on the scoring server;
editing this copy changes nothing except your own understanding.
"""

import jax, jax.numpy as jnp
import numpy as np

VOCAB = 1000
EMBED = 64
N_OUT = 10
BATCH = 4096
SEQ = 200


def setup_inputs(seed: int = 0) -> dict:
    key = jax.random.key(seed)
    k1, k2, k3 = jax.random.split(key, 3)
    inputs = jax.random.randint(k1, (BATCH, SEQ), 0, VOCAB, dtype=jnp.int32)
    table = jax.random.normal(k2, (VOCAB, EMBED), dtype=jnp.float32)
    W = jax.random.normal(k3, (EMBED, N_OUT), dtype=jnp.float32) * 0.1
    b = jnp.zeros((N_OUT,), dtype=jnp.float32)
    return {"inputs": inputs, "table": table, "W": W, "b": b}


def reference(inputs, table, W, b):
    # Embedding lookup (gather)
    emb = jnp.take(table, inputs, axis=0)  # [B, S, E]
    # GlobalMaxPool1D over the sequence axis
    pooled = jnp.max(emb, axis=1)  # [B, E]
    # Output dense layer with softmax activation
    logits = pooled @ W + b  # [B, N_OUT]
    return jax.nn.softmax(logits, axis=-1)

if __name__ == "__main__":
    import jax
    _d = setup_inputs()
    print(jax.jit(kernel)(*tuple(_d.values())))

</pallas_src>

<mosaic_0001>
#map = affine_map<(d0, d1) -> (0, 0)>
#map1 = affine_map<(d0, d1) -> (0)>
module attributes {stable_mosaic.version = 14 : i64} {
  func.func @k(%arg0: i32, %arg1: i32, %arg2: memref<200x4096xi32, #tpu.memory_space<hbm>>, %arg3: memref<1024x64xf32, #tpu.memory_space<hbm>>, %arg4: memref<524288xi32, #tpu.memory_space<hbm>>, %arg5: memref<64x64xf32, #tpu.memory_space<vmem>>, %arg6: memref<32768xi32, #tpu.memory_space<vmem>>, %arg7: memref<200x128xi32, #tpu.memory_space<vmem>>, %arg8: memref<16384xi32, #tpu.memory_space<vmem>>, %arg9: memref<32768xi32, #tpu.memory_space<vmem_shared>>, %arg10: memref<!tpu.dma_semaphore, #tpu.memory_space<semaphore_mem>>) attributes {dimension_semantics = [#tpu.dimension_semantics<core_parallel>, #tpu.dimension_semantics<subcore_parallel>], iteration_bounds = array<i64: 2, 16>, scalar_prefetch = 0 : i64, scratch_operands = 6 : i64, tpu.core_type = #tpu.core_type<sc_vector_subcore>, window_params = [{transform_indices = #map}, {transform_indices = #map}, {transform_indices = #map1}]} {
    %mul3A = arith.constant 2 : i32
    %mul3A_0 = arith.muli %arg1, %mul3A : i32
    %add3A = arith.addi %mul3A_0, %arg0 : i32
    %mul3A_1 = arith.constant 128 : i32
    %mul3A_2 = arith.muli %add3A, %mul3A_1 : i32
    %dma_start3A = arith.constant 0 : i32
    %dma_start3A_3 = tpu.memref_slice %arg2[%dma_start3A, %mul3A_2] : memref<200x4096xi32, #tpu.memory_space<hbm>> -> memref<200x128xi32, #tpu.memory_space<hbm>>
    %dma_start3A_4 = arith.constant 0 : i32
    %dma_start3A_5 = tpu.memref_slice %arg2[%dma_start3A_4, %mul3A_2] : memref<200x4096xi32, #tpu.memory_space<hbm>> -> memref<200x128xi32, #tpu.memory_space<hbm>>
    tpu.enqueue_dma source(%dma_start3A_5 : memref<200x128xi32, #tpu.memory_space<hbm>>) target(%arg7 : memref<200x128xi32, #tpu.memory_space<vmem>>) target_semaphore(%arg10 : memref<!tpu.dma_semaphore, #tpu.memory_space<semaphore_mem>>)
    %mul3A_6 = arith.constant 64 : i32
    %mul3A_7 = arith.muli %arg1, %mul3A_6 : i32
    "tpu.region"() ({
      %run_scoped3A = tpu.sem_alloc : memref<!tpu.dma_semaphore, #tpu.memory_space<semaphore_mem>>
      %dma_start3A_35 = arith.constant 0 : i32
      %dma_start3A_36 = tpu.memref_slice %arg3[%mul3A_7, %dma_start3A_35] : memref<1024x64xf32, #tpu.memory_space<hbm>> -> memref<64x64xf32, #tpu.memory_space<hbm>>
      %dma_start3A_37 = arith.constant 0 : i32
      %dma_start3A_38 = tpu.memref_slice %arg3[%mul3A_7, %dma_start3A_37] : memref<1024x64xf32, #tpu.memory_space<hbm>> -> memref<64x64xf32, #tpu.memory_space<hbm>>
      tpu.enqueue_dma source(%dma_start3A_38 : memref<64x64xf32, #tpu.memory_space<hbm>>) target(%arg5 : memref<64x64xf32, #tpu.memory_space<vmem>>) target_semaphore(%run_scoped3A : memref<!tpu.dma_semaphore, #tpu.memory_space<semaphore_mem>>)
      %dma_wait3A_39 = arith.constant 0 : i32
      %dma_wait3A_40 = tpu.memref_slice %arg3[%mul3A_7, %dma_wait3A_39] : memref<1024x64xf32, #tpu.memory_space<hbm>> -> memref<64x64xf32, #tpu.memory_space<hbm>>
      %dma_wait3A_41 = arith.constant 0 : i32
      %dma_wait3A_42 = tpu.memref_slice %arg3[%mul3A_7, %dma_wait3A_41] : memref<1024x64xf32, #tpu.memory_space<hbm>> -> memref<64x64xf32, #tpu.memory_space<hbm>>
      tpu.wait_dma2 semaphore(%run_scoped3A : memref<!tpu.dma_semaphore, #tpu.memory_space<semaphore_mem>>) src(%dma_wait3A_42 : memref<64x64xf32, #tpu.memory_space<hbm>>) dst(%arg5 : memref<64x64xf32, #tpu.memory_space<vmem>>)
      tpu.yield
    }) : () -> ()
    %scan3A = arith.constant 0 : i32
    %scan3A_8 = arith.constant 0 : i32
    %scan3A_9 = arith.constant 16 : i32
    %scan3A_10 = arith.addi %scan3A_8, %scan3A_9 : i32
    %scan3A_11 = arith.constant 1 : i32
    scf.for %scan3A_35 = %scan3A_8 to %scan3A_10 step %scan3A_11  : i32 {
      %mul3A_36 = arith.constant 4 : i32
      %mul3A_37 = arith.muli %scan3A_35, %mul3A_36 : i32
      %add3A_38 = arith.constant 0 : i32
      %add3A_39 = arith.addi %mul3A_37, %add3A_38 : i32
      %get3A = arith.index_cast %add3A_39 : i32 to index
      %get3A_40 = arith.constant 0 : index
      %get3A_41 = tpu.vector_load %arg5[%get3A, %get3A_40] {strides = array<i32>} : memref<64x64xf32, #tpu.memory_space<vmem>>, vector<16xf32>,
      %get3A_42 = arith.index_cast %add3A_39 : i32 to index
      %get3A_43 = arith.constant 16 : index
      %get3A_44 = tpu.vector_load %arg5[%get3A_42, %get3A_43] {strides = array<i32>} : memref<64x64xf32, #tpu.memory_space<vmem>>, vector<16xf32>,
      %pack3A = tpu.pack_subelements %get3A_41, %get3A_44 {pack_format = #tpu.pack_format<interleaved>, positions = array<i32: 0, 1>} : vector<16xf32>, vector<16xf32> -> vector<32xbf16>
      %bitcast3A = vector.bitcast %pack3A : vector<32xbf16> to vector<16xi32>
      %mul3A_45 = arith.constant 32 : i32
      %mul3A_46 = arith.muli %add3A_39, %mul3A_45 : i32
      %add3A_47 = arith.constant 0 : i32
      %add3A_48 = arith.addi %mul3A_46, %add3A_47 : i32
      %swap3A = arith.index_cast %add3A_48 : i32 to index
      %swap3A_49 = tpu.vector_load %arg8[%swap3A] {strides = array<i32>} : memref<16384xi32, #tpu.memory_space<vmem>>, vector<16xi32>,
      tpu.vector_store %arg8[%swap3A], %bitcast3A {strides = array<i32>} : memref<16384xi32, #tpu.memory_space<vmem>>, vector<16xi32>,
      %get3A_50 = arith.index_cast %add3A_39 : i32 to index
      %get3A_51 = arith.constant 32 : index
      %get3A_52 = tpu.vector_load %arg5[%get3A_50, %get3A_51] {strides = array<i32>} : memref<64x64xf32, #tpu.memory_space<vmem>>, vector<16xf32>,
      %get3A_53 = arith.index_cast %add3A_39 : i32 to index
      %get3A_54 = arith.constant 48 : index
      %get3A_55 = tpu.vector_load %arg5[%get3A_53, %get3A_54] {strides = array<i32>} : memref<64x64xf32, #tpu.memory_space<vmem>>, vector<16xf32>,
      %pack3A_56 = tpu.pack_subelements %get3A_52, %get3A_55 {pack_format = #tpu.pack_format<interleaved>, positions = array<i32: 0, 1>} : vector<16xf32>, vector<16xf32> -> vector<32xbf16>
      %bitcast3A_57 = vector.bitcast %pack3A_56 : vector<32xbf16> to vector<16xi32>
      %mul3A_58 = arith.constant 32 : i32
      %mul3A_59 = arith.muli %add3A_39, %mul3A_58 : i32
      %add3A_60 = arith.constant 16 : i32
      %add3A_61 = arith.addi %mul3A_59, %add3A_60 : i32
      %swap3A_62 = arith.index_cast %add3A_61 : i32 to index
      %swap3A_63 = tpu.vector_load %arg8[%swap3A_62] {strides = array<i32>} : memref<16384xi32, #tpu.memory_space<vmem>>, vector<16xi32>,
      tpu.vector_store %arg8[%swap3A_62], %bitcast3A_57 {strides = array<i32>} : memref<16384xi32, #tpu.memory_space<vmem>>, vector<16xi32>,
      %mul3A_64 = arith.constant 4 : i32
      %mul3A_65 = arith.muli %scan3A_35, %mul3A_64 : i32
      %add3A_66 = arith.constant 1 : i32
      %add3A_67 = arith.addi %mul3A_65, %add3A_66 : i32
      %get3A_68 = arith.index_cast %add3A_67 : i32 to index
      %get3A_69 = arith.constant 0 : index
      %get3A_70 = tpu.vector_load %arg5[%get3A_68, %get3A_69] {strides = array<i32>} : memref<64x64xf32, #tpu.memory_space<vmem>>, vector<16xf32>,
      %get3A_71 = arith.index_cast %add3A_67 : i32 to index
      %get3A_72 = arith.constant 16 : index
      %get3A_73 = tpu.vector_load %arg5[%get3A_71, %get3A_72] {strides = array<i32>} : memref<64x64xf32, #tpu.memory_space<vmem>>, vector<16xf32>,
      %pack3A_74 = tpu.pack_subelements %get3A_70, %get3A_73 {pack_format = #tpu.pack_format<interleaved>, positions = array<i32: 0, 1>} : vector<16xf32>, vector<16xf32> -> vector<32xbf16>
      %bitcast3A_75 = vector.bitcast %pack3A_74 : vector<32xbf16> to vector<16xi32>
      %mul3A_76 = arith.constant 32 : i32
      %mul3A_77 = arith.muli %add3A_67, %mul3A_76 : i32
      %add3A_78 = arith.constant 0 : i32
      %add3A_79 = arith.addi %mul3A_77, %add3A_78 : i32
      %swap3A_80 = arith.index_cast %add3A_79 : i32 to index
      %swap3A_81 = tpu.vector_load %arg8[%swap3A_80] {strides = array<i32>} : memref<16384xi32, #tpu.memory_space<vmem>>, vector<16xi32>,
      tpu.vector_store %arg8[%swap3A_80], %bitcast3A_75 {strides = array<i32>} : memref<16384xi32, #tpu.memory_space<vmem>>, vector<16xi32>,
      %get3A_82 = arith.index_cast %add3A_67 : i32 to index
      %get3A_83 = arith.constant 32 : index
      %get3A_84 = tpu.vector_load %arg5[%get3A_82, %get3A_83] {strides = array<i32>} : memref<64x64xf32, #tpu.memory_space<vmem>>, vector<16xf32>,
      %get3A_85 = arith.index_cast %add3A_67 : i32 to index
      %get3A_86 = arith.constant 48 : index
      %get3A_87 = tpu.vector_load %arg5[%get3A_85, %get3A_86] {strides = array<i32>} : memref<64x64xf32, #tpu.memory_space<vmem>>, vector<16xf32>,
      %pack3A_88 = tpu.pack_subelements %get3A_84, %get3A_87 {pack_format = #tpu.pack_format<interleaved>, positions = array<i32: 0, 1>} : vector<16xf32>, vector<16xf32> -> vector<32xbf16>
      %bitcast3A_89 = vector.bitcast %pack3A_88 : vector<32xbf16> to vector<16xi32>
      %mul3A_90 = arith.constant 32 : i32
      %mul3A_91 = arith.muli %add3A_67, %mul3A_90 : i32
      %add3A_92 = arith.constant 16 : i32
      %add3A_93 = arith.addi %mul3A_91, %add3A_92 : i32
      %swap3A_94 = arith.index_cast %add3A_93 : i32 to index
      %swap3A_95 = tpu.vector_load %arg8[%swap3A_94] {strides = array<i32>} : memref<16384xi32, #tpu.memory_space<vmem>>, vector<16xi32>,
      tpu.vector_store %arg8[%swap3A_94], %bitcast3A_89 {strides = array<i32>} : memref<16384xi32, #tpu.memory_space<vmem>>, vector<16xi32>,
      %mul3A_96 = arith.constant 4 : i32
      %mul3A_97 = arith.muli %scan3A_35, %mul3A_96 : i32
      %add3A_98 = arith.constant 2 : i32
      %add3A_99 = arith.addi %mul3A_97, %add3A_98 : i32
      %get3A_100 = arith.index_cast %add3A_99 : i32 to index
      %get3A_101 = arith.constant 0 : index
      %get3A_102 = tpu.vector_load %arg5[%get3A_100, %get3A_101] {strides = array<i32>} : memref<64x64xf32, #tpu.memory_space<vmem>>, vector<16xf32>,
      %get3A_103 = arith.index_cast %add3A_99 : i32 to index
      %get3A_104 = arith.constant 16 : index
      %get3A_105 = tpu.vector_load %arg5[%get3A_103, %get3A_104] {strides = array<i32>} : memref<64x64xf32, #tpu.memory_space<vmem>>, vector<16xf32>,
      %pack3A_106 = tpu.pack_subelements %get3A_102, %get3A_105 {pack_format = #tpu.pack_format<interleaved>, positions = array<i32: 0, 1>} : vector<16xf32>, vector<16xf32> -> vector<32xbf16>
      %bitcast3A_107 = vector.bitcast %pack3A_106 : vector<32xbf16> to vector<16xi32>
      %mul3A_108 = arith.constant 32 : i32
      %mul3A_109 = arith.muli %add3A_99, %mul3A_108 : i32
      %add3A_110 = arith.constant 0 : i32
      %add3A_111 = arith.addi %mul3A_109, %add3A_110 : i32
      %swap3A_112 = arith.index_cast %add3A_111 : i32 to index
      %swap3A_113 = tpu.vector_load %arg8[%swap3A_112] {strides = array<i32>} : memref<16384xi32, #tpu.memory_space<vmem>>, vector<16xi32>,
      tpu.vector_store %arg8[%swap3A_112], %bitcast3A_107 {strides = array<i32>} : memref<16384xi32, #tpu.memory_space<vmem>>, vector<16xi32>,
      %get3A_114 = arith.index_cast %add3A_99 : i32 to index
      %get3A_115 = arith.constant 32 : index
      %get3A_116 = tpu.vector_load %arg5[%get3A_114, %get3A_115] {strides = array<i32>} : memref<64x64xf32, #tpu.memory_space<vmem>>, vector<16xf32>,
      %get3A_117 = arith.index_cast %add3A_99 : i32 to index
      %get3A_118 = arith.constant 48 : index
      %get3A_119 = tpu.vector_load %arg5[%get3A_117, %get3A_118] {strides = array<i32>} : memref<64x64xf32, #tpu.memory_space<vmem>>, vector<16xf32>,
      %pack3A_120 = tpu.pack_subelements %get3A_116, %get3A_119 {pack_format = #tpu.pack_format<interleaved>, positions = array<i32: 0, 1>} : vector<16xf32>, vector<16xf32> -> vector<32xbf16>
      %bitcast3A_121 = vector.bitcast %pack3A_120 : vector<32xbf16> to vector<16xi32>
      %mul3A_122 = arith.constant 32 : i32
      %mul3A_123 = arith.muli %add3A_99, %mul3A_122 : i32
      %add3A_124 = arith.constant 16 : i32
      %add3A_125 = arith.addi %mul3A_123, %add3A_124 : i32
      %swap3A_126 = arith.index_cast %add3A_125 : i32 to index
      %swap3A_127 = tpu.vector_load %arg8[%swap3A_126] {strides = array<i32>} : memref<16384xi32, #tpu.memory_space<vmem>>, vector<16xi32>,
      tpu.vector_store %arg8[%swap3A_126], %bitcast3A_121 {strides = array<i32>} : memref<16384xi32, #tpu.memory_space<vmem>>, vector<16xi32>,
      %mul3A_128 = arith.constant 4 : i32
      %mul3A_129 = arith.muli %scan3A_35, %mul3A_128 : i32
      %add3A_130 = arith.constant 3 : i32
      %add3A_131 = arith.addi %mul3A_129, %add3A_130 : i32
      %get3A_132 = arith.index_cast %add3A_131 : i32 to index
      %get3A_133 = arith.constant 0 : index
      %get3A_134 = tpu.vector_load %arg5[%get3A_132, %get3A_133] {strides = array<i32>} : memref<64x64xf32, #tpu.memory_space<vmem>>, vector<16xf32>,
      %get3A_135 = arith.index_cast %add3A_131 : i32 to index
      %get3A_136 = arith.constant 16 : index
      %get3A_137 = tpu.vector_load %arg5[%get3A_135, %get3A_136] {strides = array<i32>} : memref<64x64xf32, #tpu.memory_space<vmem>>, vector<16xf32>,
      %pack3A_138 = tpu.pack_subelements %get3A_134, %get3A_137 {pack_format = #tpu.pack_format<interleaved>, positions = array<i32: 0, 1>} : vector<16xf32>, vector<16xf32> -> vector<32xbf16>
      %bitcast3A_139 = vector.bitcast %pack3A_138 : vector<32xbf16> to vector<16xi32>
      %mul3A_140 = arith.constant 32 : i32
      %mul3A_141 = arith.muli %add3A_131, %mul3A_140 : i32
      %add3A_142 = arith.constant 0 : i32
      %add3A_143 = arith.addi %mul3A_141, %add3A_142 : i32
      %swap3A_144 = arith.index_cast %add3A_143 : i32 to index
      %swap3A_145 = tpu.vector_load %arg8[%swap3A_144] {strides = array<i32>} : memref<16384xi32, #tpu.memory_space<vmem>>, vector<16xi32>,
      tpu.vector_store %arg8[%swap3A_144], %bitcast3A_139 {strides = array<i32>} : memref<16384xi32, #tpu.memory_space<vmem>>, vector<16xi32>,
      %get3A_146 = arith.index_cast %add3A_131 : i32 to index
      %get3A_147 = arith.constant 32 : index
      %get3A_148 = tpu.vector_load %arg5[%get3A_146, %get3A_147] {strides = array<i32>} : memref<64x64xf32, #tpu.memory_space<vmem>>, vector<16xf32>,
      %get3A_149 = arith.index_cast %add3A_131 : i32 to index
      %get3A_150 = arith.constant 48 : index
      %get3A_151 = tpu.vector_load %arg5[%get3A_149, %get3A_150] {strides = array<i32>} : memref<64x64xf32, #tpu.memory_space<vmem>>, vector<16xf32>,
      %pack3A_152 = tpu.pack_subelements %get3A_148, %get3A_151 {pack_format = #tpu.pack_format<interleaved>, positions = array<i32: 0, 1>} : vector<16xf32>, vector<16xf32> -> vector<32xbf16>
      %bitcast3A_153 = vector.bitcast %pack3A_152 : vector<32xbf16> to vector<16xi32>
      %mul3A_154 = arith.constant 32 : i32
      %mul3A_155 = arith.muli %add3A_131, %mul3A_154 : i32
      %add3A_156 = arith.constant 16 : i32
      %add3A_157 = arith.addi %mul3A_155, %add3A_156 : i32
      %swap3A_158 = arith.index_cast %add3A_157 : i32 to index
      %swap3A_159 = tpu.vector_load %arg8[%swap3A_158] {strides = array<i32>} : memref<16384xi32, #tpu.memory_space<vmem>>, vector<16xi32>,
      tpu.vector_store %arg8[%swap3A_158], %bitcast3A_153 {strides = array<i32>} : memref<16384xi32, #tpu.memory_space<vmem>>, vector<16xi32>,
    }
    %scan3A_12 = arith.constant 16 : i32
    %mul3A_13 = arith.constant 2048 : i32
    %mul3A_14 = arith.muli %arg1, %mul3A_13 : i32
    "tpu.region"() ({
      %run_scoped3A = tpu.sem_alloc : memref<!tpu.dma_semaphore, #tpu.memory_space<semaphore_mem>>
      %dma_start3A_35 = arith.constant 0 : i32
      %dma_start3A_36 = tpu.memref_slice %arg8[%dma_start3A_35] : memref<16384xi32, #tpu.memory_space<vmem>> -> memref<2048xi32, #tpu.memory_space<vmem>>
      %dma_start3A_37 = tpu.memref_slice %arg9[%mul3A_14] : memref<32768xi32, #tpu.memory_space<vmem_shared>> -> memref<2048xi32, #tpu.memory_space<vmem_shared>>
      %dma_start3A_38 = tpu.memref_slice %arg9[%mul3A_14] : memref<32768xi32, #tpu.memory_space<vmem_shared>> -> memref<2048xi32, #tpu.memory_space<vmem_shared>>
      %dma_start3A_39 = arith.constant 0 : i32
      %dma_start3A_40 = tpu.memref_slice %arg8[%dma_start3A_39] : memref<16384xi32, #tpu.memory_space<vmem>> -> memref<2048xi32, #tpu.memory_space<vmem>>
      tpu.enqueue_dma source(%dma_start3A_40 : memref<2048xi32, #tpu.memory_space<vmem>>) target(%dma_start3A_38 : memref<2048xi32, #tpu.memory_space<vmem_shared>>) target_semaphore(%run_scoped3A : memref<!tpu.dma_semaphore, #tpu.memory_space<semaphore_mem>>)
      %dma_wait3A_41 = arith.constant 0 : i32
      %dma_wait3A_42 = tpu.memref_slice %arg8[%dma_wait3A_41] : memref<16384xi32, #tpu.memory_space<vmem>> -> memref<2048xi32, #tpu.memory_space<vmem>>
      %dma_wait3A_43 = tpu.memref_slice %arg9[%mul3A_14] : memref<32768xi32, #tpu.memory_space<vmem_shared>> -> memref<2048xi32, #tpu.memory_space<vmem_shared>>
      %dma_wait3A_44 = tpu.memref_slice %arg9[%mul3A_14] : memref<32768xi32, #tpu.memory_space<vmem_shared>> -> memref<2048xi32, #tpu.memory_space<vmem_shared>>
      %dma_wait3A_45 = arith.constant 0 : i32
      %dma_wait3A_46 = tpu.memref_slice %arg8[%dma_wait3A_45] : memref<16384xi32, #tpu.memory_space<vmem>> -> memref<2048xi32, #tpu.memory_space<vmem>>
      tpu.wait_dma2 semaphore(%run_scoped3A : memref<!tpu.dma_semaphore, #tpu.memory_space<semaphore_mem>>) src(%dma_wait3A_46 : memref<2048xi32, #tpu.memory_space<vmem>>) dst(%dma_wait3A_44 : memref<2048xi32, #tpu.memory_space<vmem_shared>>)
      tpu.yield
    }) : () -> ()
    %barrier3A = arith.constant 0 : index
    tpu.barrier barrier_id(%barrier3A)
    "tpu.region"() ({
      %run_scoped3A = tpu.sem_alloc : memref<!tpu.dma_semaphore, #tpu.memory_space<semaphore_mem>>
      tpu.enqueue_dma source(%arg9 : memref<32768xi32, #tpu.memory_space<vmem_shared>>) target(%arg6 : memref<32768xi32, #tpu.memory_space<vmem>>) target_semaphore(%run_scoped3A : memref<!tpu.dma_semaphore, #tpu.memory_space<semaphore_mem>>)
      tpu.wait_dma2 semaphore(%run_scoped3A : memref<!tpu.dma_semaphore, #tpu.memory_space<semaphore_mem>>) src(%arg9 : memref<32768xi32, #tpu.memory_space<vmem_shared>>) dst(%arg6 : memref<32768xi32, #tpu.memory_space<vmem>>)
      tpu.yield
    }) : () -> ()
    %dma_wait3A = arith.constant 0 : i32
    %dma_wait3A_15 = tpu.memref_slice %arg2[%dma_wait3A, %mul3A_2] : memref<200x4096xi32, #tpu.memory_space<hbm>> -> memref<200x128xi32, #tpu.memory_space<hbm>>
    %dma_wait3A_16 = arith.constant 0 : i32
    %dma_wait3A_17 = tpu.memref_slice %arg2[%dma_wait3A_16, %mul3A_2] : memref<200x4096xi32, #tpu.memory_space<hbm>> -> memref<200x128xi32, #tpu.memory_space<hbm>>
    tpu.wait_dma2 semaphore(%arg10 : memref<!tpu.dma_semaphore, #tpu.memory_space<semaphore_mem>>) src(%dma_wait3A_17 : memref<200x128xi32, #tpu.memory_space<hbm>>) dst(%arg7 : memref<200x128xi32, #tpu.memory_space<vmem>>)
    %iota3A = tpu.iota {dimensions = array<i32: 0>} : vector<16xi32>
    %add3A_18 = arith.constant 0 : i32
    %add3A_19 = vector.broadcast %add3A_18 : i32 to vector<16xi32>
    %add3A_20 = arith.addi %iota3A, %add3A_19 : vector<16xi32>
    %iota3A_21 = tpu.iota {dimensions = array<i32: 0>} : vector<16xi32>
    %add3A_22 = arith.constant 16 : i32
    %add3A_23 = vector.broadcast %add3A_22 : i32 to vector<16xi32>
    %add3A_24 = arith.addi %iota3A_21, %add3A_23 : vector<16xi32>
    %iota3A_25 = tpu.iota {dimensions = array<i32: 0>} : vector<16xi32>
    %broadcast_in_dim3A = arith.constant 0xFF80 : bf16
    %broadcast_in_dim3A_26 = vector.broadcast %broadcast_in_dim3A : bf16 to vector<32xbf16>
    %scan3A_27 = arith.constant 0 : i32
    %scan3A_28 = arith.constant 0 : i32
    %scan3A_29 = arith.constant 128 : i32
    %scan3A_30 = arith.addi %scan3A_28, %scan3A_29 : i32
    %scan3A_31 = arith.constant 1 : i32
    scf.for %scan3A_35 = %scan3A_28 to %scan3A_30 step %scan3A_31  : i32 {
      %broadcast_in_dim3A_36 = vector.broadcast %scan3A_35 : i32 to vector<16xi32>
      %scan3A_37 = arith.constant 0 : i32
      %scan3A_38 = arith.constant 13 : i32
      %scan3A_39 = arith.addi %scan3A_37, %scan3A_38 : i32
      %scan3A_40 = arith.constant 1 : i32
      %scan3A_41:2 = scf.for %scan3A_55 = %scan3A_37 to %scan3A_39 step %scan3A_40 iter_args(%scan3A_56 = %broadcast_in_dim3A_26, %scan3A_57 = %broadcast_in_dim3A_26) -> (vector<32xbf16>, vector<32xbf16>)  : i32 {
        %mul3A_58 = arith.constant 16 : i32
        %mul3A_59 = arith.muli %scan3A_55, %mul3A_58 : i32
        %min3A = arith.constant 184 : i32
        %min3A_60 = arith.minsi %mul3A_59, %min3A : i32
        %add3A_61 = vector.broadcast %min3A_60 : i32 to vector<16xi32>
        %add3A_62 = arith.addi %iota3A_25, %add3A_61 : vector<16xi32>
        %gather3A = tpu.vector_load_idx %arg7[%add3A_62, %broadcast_in_dim3A_36] : memref<200x128xi32, #tpu.memory_space<vmem>>[vector<16xi32>, vector<16xi32>], vector<16xi32>,
        %mul3A_63 = arith.constant 32 : i32
        %mul3A_64 = vector.broadcast %mul3A_63 : i32 to vector<16xi32>
        %mul3A_65 = arith.muli %gather3A, %mul3A_64 : vector<16xi32>
        %broadcast_in_dim3A_66 = arith.constant 0 : i32
        %broadcast_in_dim3A_67 = vector.broadcast %broadcast_in_dim3A_66 : i32 to vector<16xi32>
        %lt3A = arith.constant 0 : i32
        %lt3A_68 = vector.broadcast %lt3A : i32 to vector<16xi32>
        %lt3A_69 = arith.cmpi slt, %broadcast_in_dim3A_67, %lt3A_68 : vector<16xi32>
        %add3A_70 = arith.constant 16 : i32
        %add3A_71 = vector.broadcast %add3A_70 : i32 to vector<16xi32>
        %add3A_72 = arith.addi %broadcast_in_dim3A_67, %add3A_71 : vector<16xi32>
        %select_n3A = arith.select %lt3A_69, %add3A_72, %broadcast_in_dim3A_67 : vector<16xi1>, vector<16xi32>
        %broadcast_in_dim3A_73 = vector.shape_cast %select_n3A : vector<16xi32> to vector<16x1xi32>
        %gather3A_74 = vector.shape_cast %broadcast_in_dim3A_73 : vector<16x1xi32> to vector<16xi32>
        %gather3A_75 = tpu.dynamic_gather %mul3A_65[%gather3A_74] in [0] : vector<16xi32>, vector<16xi32> -> vector<16xi32>
        %add3A_76 = arith.addi %gather3A_75, %add3A_20 : vector<16xi32>
        %gather3A_77 = tpu.vector_load_idx %arg6[%add3A_76] : memref<32768xi32, #tpu.memory_space<vmem>>[vector<16xi32>], vector<16xi32>,
        %bitcast3A_78 = vector.bitcast %gather3A_77 : vector<16xi32> to vector<32xbf16>
        %max3A = arith.maximumf %scan3A_56, %bitcast3A_78 : vector<32xbf16>
        %add3A_79 = arith.addi %gather3A_75, %add3A_24 : vector<16xi32>
        %gather3A_80 = tpu.vector_load_idx %arg6[%add3A_79] : memref<32768xi32, #tpu.memory_space<vmem>>[vector<16xi32>], vector<16xi32>,
        %bitcast3A_81 = vector.bitcast %gather3A_80 : vector<16xi32> to vector<32xbf16>
        %max3A_82 = arith.maximumf %scan3A_57, %bitcast3A_81 : vector<32xbf16>
        %broadcast_in_dim3A_83 = arith.constant 1 : i32
        %broadcast_in_dim3A_84 = vector.broadcast %broadcast_in_dim3A_83 : i32 to vector<16xi32>
        %lt3A_85 = arith.constant 0 : i32
        %lt3A_86 = vector.broadcast %lt3A_85 : i32 to vector<16xi32>
        %lt3A_87 = arith.cmpi slt, %broadcast_in_dim3A_84, %lt3A_86 : vector<16xi32>
        %add3A_88 = arith.constant 16 : i32
        %add3A_89 = vector.broadcast %add3A_88 : i32 to vector<16xi32>
        %add3A_90 = arith.addi %broadcast_in_dim3A_84, %add3A_89 : vector<16xi32>
        %select_n3A_91 = arith.select %lt3A_87, %add3A_90, %broadcast_in_dim3A_84 : vector<16xi1>, vector<16xi32>
        %broadcast_in_dim3A_92 = vector.shape_cast %select_n3A_91 : vector<16xi32> to vector<16x1xi32>
        %gather3A_93 = vector.shape_cast %broadcast_in_dim3A_92 : vector<16x1xi32> to vector<16xi32>
        %gather3A_94 = tpu.dynamic_gather %mul3A_65[%gather3A_93] in [0] : vector<16xi32>, vector<16xi32> -> vector<16xi32>
        %add3A_95 = arith.addi %gather3A_94, %add3A_20 : vector<16xi32>
        %gather3A_96 = tpu.vector_load_idx %arg6[%add3A_95] : memref<32768xi32, #tpu.memory_space<vmem>>[vector<16xi32>], vector<16xi32>,
        %bitcast3A_97 = vector.bitcast %gather3A_96 : vector<16xi32> to vector<32xbf16>
        %max3A_98 = arith.maximumf %max3A, %bitcast3A_97 : vector<32xbf16>
        %add3A_99 = arith.addi %gather3A_94, %add3A_24 : vector<16xi32>
        %gather3A_100 = tpu.vector_load_idx %arg6[%add3A_99] : memref<32768xi32, #tpu.memory_space<vmem>>[vector<16xi32>], vector<16xi32>,
        %bitcast3A_101 = vector.bitcast %gather3A_100 : vector<16xi32> to vector<32xbf16>
        %max3A_102 = arith.maximumf %max3A_82, %bitcast3A_101 : vector<32xbf16>
        %broadcast_in_dim3A_103 = arith.constant 2 : i32
        %broadcast_in_dim3A_104 = vector.broadcast %broadcast_in_dim3A_103 : i32 to vector<16xi32>
        %lt3A_105 = arith.constant 0 : i32
        %lt3A_106 = vector.broadcast %lt3A_105 : i32 to vector<16xi32>
        %lt3A_107 = arith.cmpi slt, %broadcast_in_dim3A_104, %lt3A_106 : vector<16xi32>
        %add3A_108 = arith.constant 16 : i32
        %add3A_109 = vector.broadcast %add3A_108 : i32 to vector<16xi32>
        %add3A_110 = arith.addi %broadcast_in_dim3A_104, %add3A_109 : vector<16xi32>
        %select_n3A_111 = arith.select %lt3A_107, %add3A_110, %broadcast_in_dim3A_104 : vector<16xi1>, vector<16xi32>
        %broadcast_in_dim3A_112 = vector.shape_cast %select_n3A_111 : vector<16xi32> to vector<16x1xi32>
        %gather3A_113 = vector.shape_cast %broadcast_in_dim3A_112 : vector<16x1xi32> to vector<16xi32>
        %gather3A_114 = tpu.dynamic_gather %mul3A_65[%gather3A_113] in [0] : vector<16xi32>, vector<16xi32> -> vector<16xi32>
        %add3A_115 = arith.addi %gather3A_114, %add3A_20 : vector<16xi32>
        %gather3A_116 = tpu.vector_load_idx %arg6[%add3A_115] : memref<32768xi32, #tpu.memory_space<vmem>>[vector<16xi32>], vector<16xi32>,
        %bitcast3A_117 = vector.bitcast %gather3A_116 : vector<16xi32> to vector<32xbf16>
        %max3A_118 = arith.maximumf %max3A_98, %bitcast3A_117 : vector<32xbf16>
        %add3A_119 = arith.addi %gather3A_114, %add3A_24 : vector<16xi32>
        %gather3A_120 = tpu.vector_load_idx %arg6[%add3A_119] : memref<32768xi32, #tpu.memory_space<vmem>>[vector<16xi32>], vector<16xi32>,
        %bitcast3A_121 = vector.bitcast %gather3A_120 : vector<16xi32> to vector<32xbf16>
        %max3A_122 = arith.maximumf %max3A_102, %bitcast3A_121 : vector<32xbf16>
        %broadcast_in_dim3A_123 = arith.constant 3 : i32
        %broadcast_in_dim3A_124 = vector.broadcast %broadcast_in_dim3A_123 : i32 to vector<16xi32>
        %lt3A_125 = arith.constant 0 : i32
        %lt3A_126 = vector.broadcast %lt3A_125 : i32 to vector<16xi32>
        %lt3A_127 = arith.cmpi slt, %broadcast_in_dim3A_124, %lt3A_126 : vector<16xi32>
        %add3A_128 = arith.constant 16 : i32
        %add3A_129 = vector.broadcast %add3A_128 : i32 to vector<16xi32>
        %add3A_130 = arith.addi %broadcast_in_dim3A_124, %add3A_129 : vector<16xi32>
        %select_n3A_131 = arith.select %lt3A_127, %add3A_130, %broadcast_in_dim3A_124 : vector<16xi1>, vector<16xi32>
        %broadcast_in_dim3A_132 = vector.shape_cast %select_n3A_131 : vector<16xi32> to vector<16x1xi32>
        %gather3A_133 = vector.shape_cast %broadcast_in_dim3A_132 : vector<16x1xi32> to vector<16xi32>
        %gather3A_134 = tpu.dynamic_gather %mul3A_65[%gather3A_133] in [0] : vector<16xi32>, vector<16xi32> -> vector<16xi32>
        %add3A_135 = arith.addi %gather3A_134, %add3A_20 : vector<16xi32>
        %gather3A_136 = tpu.vector_load_idx %arg6[%add3A_135] : memref<32768xi32, #tpu.memory_space<vmem>>[vector<16xi32>], vector<16xi32>,
        %bitcast3A_137 = vector.bitcast %gather3A_136 : vector<16xi32> to vector<32xbf16>
        %max3A_138 = arith.maximumf %max3A_118, %bitcast3A_137 : vector<32xbf16>
        %add3A_139 = arith.addi %gather3A_134, %add3A_24 : vector<16xi32>
        %gather3A_140 = tpu.vector_load_idx %arg6[%add3A_139] : memref<32768xi32, #tpu.memory_space<vmem>>[vector<16xi32>], vector<16xi32>,
        %bitcast3A_141 = vector.bitcast %gather3A_140 : vector<16xi32> to vector<32xbf16>
        %max3A_142 = arith.maximumf %max3A_122, %bitcast3A_141 : vector<32xbf16>
        %broadcast_in_dim3A_143 = arith.constant 4 : i32
        %broadcast_in_dim3A_144 = vector.broadcast %broadcast_in_dim3A_143 : i32 to vector<16xi32>
        %lt3A_145 = arith.constant 0 : i32
        %lt3A_146 = vector.broadcast %lt3A_145 : i32 to vector<16xi32>
        %lt3A_147 = arith.cmpi slt, %broadcast_in_dim3A_144, %lt3A_146 : vector<16xi32>
        %add3A_148 = arith.constant 16 : i32
        %add3A_149 = vector.broadcast %add3A_148 : i32 to vector<16xi32>
        %add3A_150 = arith.addi %broadcast_in_dim3A_144, %add3A_149 : vector<16xi32>
        %select_n3A_151 = arith.select %lt3A_147, %add3A_150, %broadcast_in_dim3A_144 : vector<16xi1>, vector<16xi32>
        %broadcast_in_dim3A_152 = vector.shape_cast %select_n3A_151 : vector<16xi32> to vector<16x1xi32>
        %gather3A_153 = vector.shape_cast %broadcast_in_dim3A_152 : vector<16x1xi32> to vector<16xi32>
        %gather3A_154 = tpu.dynamic_gather %mul3A_65[%gather3A_153] in [0] : vector<16xi32>, vector<16xi32> -> vector<16xi32>
        %add3A_155 = arith.addi %gather3A_154, %add3A_20 : vector<16xi32>
        %gather3A_156 = tpu.vector_load_idx %arg6[%add3A_155] : memref<32768xi32, #tpu.memory_space<vmem>>[vector<16xi32>], vector<16xi32>,
        %bitcast3A_157 = vector.bitcast %gather3A_156 : vector<16xi32> to vector<32xbf16>
        %max3A_158 = arith.maximumf %max3A_138, %bitcast3A_157 : vector<32xbf16>
        %add3A_159 = arith.addi %gather3A_154, %add3A_24 : vector<16xi32>
        %gather3A_160 = tpu.vector_load_idx %arg6[%add3A_159] : memref<32768xi32, #tpu.memory_space<vmem>>[vector<16xi32>], vector<16xi32>,
        %bitcast3A_161 = vector.bitcast %gather3A_160 : vector<16xi32> to vector<32xbf16>
        %max3A_162 = arith.maximumf %max3A_142, %bitcast3A_161 : vector<32xbf16>
        %broadcast_in_dim3A_163 = arith.constant 5 : i32
        %broadcast_in_dim3A_164 = vector.broadcast %broadcast_in_dim3A_163 : i32 to vector<16xi32>
        %lt3A_165 = arith.constant 0 : i32
        %lt3A_166 = vector.broadcast %lt3A_165 : i32 to vector<16xi32>
        %lt3A_167 = arith.cmpi slt, %broadcast_in_dim3A_164, %lt3A_166 : vector<16xi32>
        %add3A_168 = arith.constant 16 : i32
        %add3A_169 = vector.broadcast %add3A_168 : i32 to vector<16xi32>
        %add3A_170 = arith.addi %broadcast_in_dim3A_164, %add3A_169 : vector<16xi32>
        %select_n3A_171 = arith.select %lt3A_167, %add3A_170, %broadcast_in_dim3A_164 : vector<16xi1>, vector<16xi32>
        %broadcast_in_dim3A_172 = vector.shape_cast %select_n3A_171 : vector<16xi32> to vector<16x1xi32>
        %gather3A_173 = vector.shape_cast %broadcast_in_dim3A_172 : vector<16x1xi32> to vector<16xi32>
        %gather3A_174 = tpu.dynamic_gather %mul3A_65[%gather3A_173] in [0] : vector<16xi32>, vector<16xi32> -> vector<16xi32>
        %add3A_175 = arith.addi %gather3A_174, %add3A_20 : vector<16xi32>
        %gather3A_176 = tpu.vector_load_idx %arg6[%add3A_175] : memref<32768xi32, #tpu.memory_space<vmem>>[vector<16xi32>], vector<16xi32>,
        %bitcast3A_177 = vector.bitcast %gather3A_176 : vector<16xi32> to vector<32xbf16>
        %max3A_178 = arith.maximumf %max3A_158, %bitcast3A_177 : vector<32xbf16>
        %add3A_179 = arith.addi %gather3A_174, %add3A_24 : vector<16xi32>
        %gather3A_180 = tpu.vector_load_idx %arg6[%add3A_179] : memref<32768xi32, #tpu.memory_space<vmem>>[vector<16xi32>], vector<16xi32>,
        %bitcast3A_181 = vector.bitcast %gather3A_180 : vector<16xi32> to vector<32xbf16>
        %max3A_182 = arith.maximumf %max3A_162, %bitcast3A_181 : vector<32xbf16>
        %broadcast_in_dim3A_183 = arith.constant 6 : i32
        %broadcast_in_dim3A_184 = vector.broadcast %broadcast_in_dim3A_183 : i32 to vector<16xi32>
        %lt3A_185 = arith.constant 0 : i32
        %lt3A_186 = vector.broadcast %lt3A_185 : i32 to vector<16xi32>
        %lt3A_187 = arith.cmpi slt, %broadcast_in_dim3A_184, %lt3A_186 : vector<16xi32>
        %add3A_188 = arith.constant 16 : i32
        %add3A_189 = vector.broadcast %add3A_188 : i32 to vector<16xi32>
        %add3A_190 = arith.addi %broadcast_in_dim3A_184, %add3A_189 : vector<16xi32>
        %select_n3A_191 = arith.select %lt3A_187, %add3A_190, %broadcast_in_dim3A_184 : vector<16xi1>, vector<16xi32>
        %broadcast_in_dim3A_192 = vector.shape_cast %select_n3A_191 : vector<16xi32> to vector<16x1xi32>
        %gather3A_193 = vector.shape_cast %broadcast_in_dim3A_192 : vector<16x1xi32> to vector<16xi32>
        %gather3A_194 = tpu.dynamic_gather %mul3A_65[%gather3A_193] in [0] : vector<16xi32>, vector<16xi32> -> vector<16xi32>
        %add3A_195 = arith.addi %gather3A_194, %add3A_20 : vector<16xi32>
        %gather3A_196 = tpu.vector_load_idx %arg6[%add3A_195] : memref<32768xi32, #tpu.memory_space<vmem>>[vector<16xi32>], vector<16xi32>,
        %bitcast3A_197 = vector.bitcast %gather3A_196 : vector<16xi32> to vector<32xbf16>
        %max3A_198 = arith.maximumf %max3A_178, %bitcast3A_197 : vector<32xbf16>
        %add3A_199 = arith.addi %gather3A_194, %add3A_24 : vector<16xi32>
        %gather3A_200 = tpu.vector_load_idx %arg6[%add3A_199] : memref<32768xi32, #tpu.memory_space<vmem>>[vector<16xi32>], vector<16xi32>,
        %bitcast3A_201 = vector.bitcast %gather3A_200 : vector<16xi32> to vector<32xbf16>
        %max3A_202 = arith.maximumf %max3A_182, %bitcast3A_201 : vector<32xbf16>
        %broadcast_in_dim3A_203 = arith.constant 7 : i32
        %broadcast_in_dim3A_204 = vector.broadcast %broadcast_in_dim3A_203 : i32 to vector<16xi32>
        %lt3A_205 = arith.constant 0 : i32
        %lt3A_206 = vector.broadcast %lt3A_205 : i32 to vector<16xi32>
        %lt3A_207 = arith.cmpi slt, %broadcast_in_dim3A_204, %lt3A_206 : vector<16xi32>
        %add3A_208 = arith.constant 16 : i32
        %add3A_209 = vector.broadcast %add3A_208 : i32 to vector<16xi32>
        %add3A_210 = arith.addi %broadcast_in_dim3A_204, %add3A_209 : vector<16xi32>
        %select_n3A_211 = arith.select %lt3A_207, %add3A_210, %broadcast_in_dim3A_204 : vector<16xi1>, vector<16xi32>
        %broadcast_in_dim3A_212 = vector.shape_cast %select_n3A_211 : vector<16xi32> to vector<16x1xi32>
        %gather3A_213 = vector.shape_cast %broadcast_in_dim3A_212 : vector<16x1xi32> to vector<16xi32>
        %gather3A_214 = tpu.dynamic_gather %mul3A_65[%gather3A_213] in [0] : vector<16xi32>, vector<16xi32> -> vector<16xi32>
        %add3A_215 = arith.addi %gather3A_214, %add3A_20 : vector<16xi32>
        %gather3A_216 = tpu.vector_load_idx %arg6[%add3A_215] : memref<32768xi32, #tpu.memory_space<vmem>>[vector<16xi32>], vector<16xi32>,
        %bitcast3A_217 = vector.bitcast %gather3A_216 : vector<16xi32> to vector<32xbf16>
        %max3A_218 = arith.maximumf %max3A_198, %bitcast3A_217 : vector<32xbf16>
        %add3A_219 = arith.addi %gather3A_214, %add3A_24 : vector<16xi32>
        %gather3A_220 = tpu.vector_load_idx %arg6[%add3A_219] : memref<32768xi32, #tpu.memory_space<vmem>>[vector<16xi32>], vector<16xi32>,
        %bitcast3A_221 = vector.bitcast %gather3A_220 : vector<16xi32> to vector<32xbf16>
        %max3A_222 = arith.maximumf %max3A_202, %bitcast3A_221 : vector<32xbf16>
        %broadcast_in_dim3A_223 = arith.constant 8 : i32
        %broadcast_in_dim3A_224 = vector.broadcast %broadcast_in_dim3A_223 : i32 to vector<16xi32>
        %lt3A_225 = arith.constant 0 : i32
        %lt3A_226 = vector.broadcast %lt3A_225 : i32 to vector<16xi32>
        %lt3A_227 = arith.cmpi slt, %broadcast_in_dim3A_224, %lt3A_226 : vector<16xi32>
        %add3A_228 = arith.constant 16 : i32
        %add3A_229 = vector.broadcast %add3A_228 : i32 to vector<16xi32>
        %add3A_230 = arith.addi %broadcast_in_dim3A_224, %add3A_229 : vector<16xi32>
        %select_n3A_231 = arith.select %lt3A_227, %add3A_230, %broadcast_in_dim3A_224 : vector<16xi1>, vector<16xi32>
        %broadcast_in_dim3A_232 = vector.shape_cast %select_n3A_231 : vector<16xi32> to vector<16x1xi32>
        %gather3A_233 = vector.shape_cast %broadcast_in_dim3A_232 : vector<16x1xi32> to vector<16xi32>
        %gather3A_234 = tpu.dynamic_gather %mul3A_65[%gather3A_233] in [0] : vector<16xi32>, vector<16xi32> -> vector<16xi32>
        %add3A_235 = arith.addi %gather3A_234, %add3A_20 : vector<16xi32>
        %gather3A_236 = tpu.vector_load_idx %arg6[%add3A_235] : memref<32768xi32, #tpu.memory_space<vmem>>[vector<16xi32>], vector<16xi32>,
        %bitcast3A_237 = vector.bitcast %gather3A_236 : vector<16xi32> to vector<32xbf16>
        %max3A_238 = arith.maximumf %max3A_218, %bitcast3A_237 : vector<32xbf16>
        %add3A_239 = arith.addi %gather3A_234, %add3A_24 : vector<16xi32>
        %gather3A_240 = tpu.vector_load_idx %arg6[%add3A_239] : memref<32768xi32, #tpu.memory_space<vmem>>[vector<16xi32>], vector<16xi32>,
        %bitcast3A_241 = vector.bitcast %gather3A_240 : vector<16xi32> to vector<32xbf16>
        %max3A_242 = arith.maximumf %max3A_222, %bitcast3A_241 : vector<32xbf16>
        %broadcast_in_dim3A_243 = arith.constant 9 : i32
        %broadcast_in_dim3A_244 = vector.broadcast %broadcast_in_dim3A_243 : i32 to vector<16xi32>
        %lt3A_245 = arith.constant 0 : i32
        %lt3A_246 = vector.broadcast %lt3A_245 : i32 to vector<16xi32>
        %lt3A_247 = arith.cmpi slt, %broadcast_in_dim3A_244, %lt3A_246 : vector<16xi32>
        %add3A_248 = arith.constant 16 : i32
        %add3A_249 = vector.broadcast %add3A_248 : i32 to vector<16xi32>
        %add3A_250 = arith.addi %broadcast_in_dim3A_244, %add3A_249 : vector<16xi32>
        %select_n3A_251 = arith.select %lt3A_247, %add3A_250, %broadcast_in_dim3A_244 : vector<16xi1>, vector<16xi32>
        %broadcast_in_dim3A_252 = vector.shape_cast %select_n3A_251 : vector<16xi32> to vector<16x1xi32>
        %gather3A_253 = vector.shape_cast %broadcast_in_dim3A_252 : vector<16x1xi32> to vector<16xi32>
        %gather3A_254 = tpu.dynamic_gather %mul3A_65[%gather3A_253] in [0] : vector<16xi32>, vector<16xi32> -> vector<16xi32>
        %add3A_255 = arith.addi %gather3A_254, %add3A_20 : vector<16xi32>
        %gather3A_256 = tpu.vector_load_idx %arg6[%add3A_255] : memref<32768xi32, #tpu.memory_space<vmem>>[vector<16xi32>], vector<16xi32>,
        %bitcast3A_257 = vector.bitcast %gather3A_256 : vector<16xi32> to vector<32xbf16>
        %max3A_258 = arith.maximumf %max3A_238, %bitcast3A_257 : vector<32xbf16>
        %add3A_259 = arith.addi %gather3A_254, %add3A_24 : vector<16xi32>
        %gather3A_260 = tpu.vector_load_idx %arg6[%add3A_259] : memref<32768xi32, #tpu.memory_space<vmem>>[vector<16xi32>], vector<16xi32>,
        %bitcast3A_261 = vector.bitcast %gather3A_260 : vector<16xi32> to vector<32xbf16>
        %max3A_262 = arith.maximumf %max3A_242, %bitcast3A_261 : vector<32xbf16>
        %broadcast_in_dim3A_263 = arith.constant 10 : i32
        %broadcast_in_dim3A_264 = vector.broadcast %broadcast_in_dim3A_263 : i32 to vector<16xi32>
        %lt3A_265 = arith.constant 0 : i32
        %lt3A_266 = vector.broadcast %lt3A_265 : i32 to vector<16xi32>
        %lt3A_267 = arith.cmpi slt, %broadcast_in_dim3A_264, %lt3A_266 : vector<16xi32>
        %add3A_268 = arith.constant 16 : i32
        %add3A_269 = vector.broadcast %add3A_268 : i32 to vector<16xi32>
        %add3A_270 = arith.addi %broadcast_in_dim3A_264, %add3A_269 : vector<16xi32>
        %select_n3A_271 = arith.select %lt3A_267, %add3A_270, %broadcast_in_dim3A_264 : vector<16xi1>, vector<16xi32>
        %broadcast_in_dim3A_272 = vector.shape_cast %select_n3A_271 : vector<16xi32> to vector<16x1xi32>
        %gather3A_273 = vector.shape_cast %broadcast_in_dim3A_272 : vector<16x1xi32> to vector<16xi32>
        %gather3A_274 = tpu.dynamic_gather %mul3A_65[%gather3A_273] in [0] : vector<16xi32>, vector<16xi32> -> vector<16xi32>
        %add3A_275 = arith.addi %gather3A_274, %add3A_20 : vector<16xi32>
        %gather3A_276 = tpu.vector_load_idx %arg6[%add3A_275] : memref<32768xi32, #tpu.memory_space<vmem>>[vector<16xi32>], vector<16xi32>,
        %bitcast3A_277 = vector.bitcast %gather3A_276 : vector<16xi32> to vector<32xbf16>
        %max3A_278 = arith.maximumf %max3A_258, %bitcast3A_277 : vector<32xbf16>
        %add3A_279 = arith.addi %gather3A_274, %add3A_24 : vector<16xi32>
        %gather3A_280 = tpu.vector_load_idx %arg6[%add3A_279] : memref<32768xi32, #tpu.memory_space<vmem>>[vector<16xi32>], vector<16xi32>,
        %bitcast3A_281 = vector.bitcast %gather3A_280 : vector<16xi32> to vector<32xbf16>
        %max3A_282 = arith.maximumf %max3A_262, %bitcast3A_281 : vector<32xbf16>
        %broadcast_in_dim3A_283 = arith.constant 11 : i32
        %broadcast_in_dim3A_284 = vector.broadcast %broadcast_in_dim3A_283 : i32 to vector<16xi32>
        %lt3A_285 = arith.constant 0 : i32
        %lt3A_286 = vector.broadcast %lt3A_285 : i32 to vector<16xi32>
        %lt3A_287 = arith.cmpi slt, %broadcast_in_dim3A_284, %lt3A_286 : vector<16xi32>
        %add3A_288 = arith.constant 16 : i32
        %add3A_289 = vector.broadcast %add3A_288 : i32 to vector<16xi32>
        %add3A_290 = arith.addi %broadcast_in_dim3A_284, %add3A_289 : vector<16xi32>
        %select_n3A_291 = arith.select %lt3A_287, %add3A_290, %broadcast_in_dim3A_284 : vector<16xi1>, vector<16xi32>
        %broadcast_in_dim3A_292 = vector.shape_cast %select_n3A_291 : vector<16xi32> to vector<16x1xi32>
        %gather3A_293 = vector.shape_cast %broadcast_in_dim3A_292 : vector<16x1xi32> to vector<16xi32>
        %gather3A_294 = tpu.dynamic_gather %mul3A_65[%gather3A_293] in [0] : vector<16xi32>, vector<16xi32> -> vector<16xi32>
        %add3A_295 = arith.addi %gather3A_294, %add3A_20 : vector<16xi32>
        %gather3A_296 = tpu.vector_load_idx %arg6[%add3A_295] : memref<32768xi32, #tpu.memory_space<vmem>>[vector<16xi32>], vector<16xi32>,
        %bitcast3A_297 = vector.bitcast %gather3A_296 : vector<16xi32> to vector<32xbf16>
        %max3A_298 = arith.maximumf %max3A_278, %bitcast3A_297 : vector<32xbf16>
        %add3A_299 = arith.addi %gather3A_294, %add3A_24 : vector<16xi32>
        %gather3A_300 = tpu.vector_load_idx %arg6[%add3A_299] : memref<32768xi32, #tpu.memory_space<vmem>>[vector<16xi32>], vector<16xi32>,
        %bitcast3A_301 = vector.bitcast %gather3A_300 : vector<16xi32> to vector<32xbf16>
        %max3A_302 = arith.maximumf %max3A_282, %bitcast3A_301 : vector<32xbf16>
        %broadcast_in_dim3A_303 = arith.constant 12 : i32
        %broadcast_in_dim3A_304 = vector.broadcast %broadcast_in_dim3A_303 : i32 to vector<16xi32>
        %lt3A_305 = arith.constant 0 : i32
        %lt3A_306 = vector.broadcast %lt3A_305 : i32 to vector<16xi32>
        %lt3A_307 = arith.cmpi slt, %broadcast_in_dim3A_304, %lt3A_306 : vector<16xi32>
        %add3A_308 = arith.constant 16 : i32
        %add3A_309 = vector.broadcast %add3A_308 : i32 to vector<16xi32>
        %add3A_310 = arith.addi %broadcast_in_dim3A_304, %add3A_309 : vector<16xi32>
        %select_n3A_311 = arith.select %lt3A_307, %add3A_310, %broadcast_in_dim3A_304 : vector<16xi1>, vector<16xi32>
        %broadcast_in_dim3A_312 = vector.shape_cast %select_n3A_311 : vector<16xi32> to vector<16x1xi32>
        %gather3A_313 = vector.shape_cast %broadcast_in_dim3A_312 : vector<16x1xi32> to vector<16xi32>
        %gather3A_314 = tpu.dynamic_gather %mul3A_65[%gather3A_313] in [0] : vector<16xi32>, vector<16xi32> -> vector<16xi32>
        %add3A_315 = arith.addi %gather3A_314, %add3A_20 : vector<16xi32>
        %gather3A_316 = tpu.vector_load_idx %arg6[%add3A_315] : memref<32768xi32, #tpu.memory_space<vmem>>[vector<16xi32>], vector<16xi32>,
        %bitcast3A_317 = vector.bitcast %gather3A_316 : vector<16xi32> to vector<32xbf16>
        %max3A_318 = arith.maximumf %max3A_298, %bitcast3A_317 : vector<32xbf16>
        %add3A_319 = arith.addi %gather3A_314, %add3A_24 : vector<16xi32>
        %gather3A_320 = tpu.vector_load_idx %arg6[%add3A_319] : memref<32768xi32, #tpu.memory_space<vmem>>[vector<16xi32>], vector<16xi32>,
        %bitcast3A_321 = vector.bitcast %gather3A_320 : vector<16xi32> to vector<32xbf16>
        %max3A_322 = arith.maximumf %max3A_302, %bitcast3A_321 : vector<32xbf16>
        %broadcast_in_dim3A_323 = arith.constant 13 : i32
        %broadcast_in_dim3A_324 = vector.broadcast %broadcast_in_dim3A_323 : i32 to vector<16xi32>
        %lt3A_325 = arith.constant 0 : i32
        %lt3A_326 = vector.broadcast %lt3A_325 : i32 to vector<16xi32>
        %lt3A_327 = arith.cmpi slt, %broadcast_in_dim3A_324, %lt3A_326 : vector<16xi32>
        %add3A_328 = arith.constant 16 : i32
        %add3A_329 = vector.broadcast %add3A_328 : i32 to vector<16xi32>
        %add3A_330 = arith.addi %broadcast_in_dim3A_324, %add3A_329 : vector<16xi32>
        %select_n3A_331 = arith.select %lt3A_327, %add3A_330, %broadcast_in_dim3A_324 : vector<16xi1>, vector<16xi32>
        %broadcast_in_dim3A_332 = vector.shape_cast %select_n3A_331 : vector<16xi32> to vector<16x1xi32>
        %gather3A_333 = vector.shape_cast %broadcast_in_dim3A_332 : vector<16x1xi32> to vector<16xi32>
        %gather3A_334 = tpu.dynamic_gather %mul3A_65[%gather3A_333] in [0] : vector<16xi32>, vector<16xi32> -> vector<16xi32>
        %add3A_335 = arith.addi %gather3A_334, %add3A_20 : vector<16xi32>
        %gather3A_336 = tpu.vector_load_idx %arg6[%add3A_335] : memref<32768xi32, #tpu.memory_space<vmem>>[vector<16xi32>], vector<16xi32>,
        %bitcast3A_337 = vector.bitcast %gather3A_336 : vector<16xi32> to vector<32xbf16>
        %max3A_338 = arith.maximumf %max3A_318, %bitcast3A_337 : vector<32xbf16>
        %add3A_339 = arith.addi %gather3A_334, %add3A_24 : vector<16xi32>
        %gather3A_340 = tpu.vector_load_idx %arg6[%add3A_339] : memref<32768xi32, #tpu.memory_space<vmem>>[vector<16xi32>], vector<16xi32>,
        %bitcast3A_341 = vector.bitcast %gather3A_340 : vector<16xi32> to vector<32xbf16>
        %max3A_342 = arith.maximumf %max3A_322, %bitcast3A_341 : vector<32xbf16>
        %broadcast_in_dim3A_343 = arith.constant 14 : i32
        %broadcast_in_dim3A_344 = vector.broadcast %broadcast_in_dim3A_343 : i32 to vector<16xi32>
        %lt3A_345 = arith.constant 0 : i32
        %lt3A_346 = vector.broadcast %lt3A_345 : i32 to vector<16xi32>
        %lt3A_347 = arith.cmpi slt, %broadcast_in_dim3A_344, %lt3A_346 : vector<16xi32>
        %add3A_348 = arith.constant 16 : i32
        %add3A_349 = vector.broadcast %add3A_348 : i32 to vector<16xi32>
        %add3A_350 = arith.addi %broadcast_in_dim3A_344, %add3A_349 : vector<16xi32>
        %select_n3A_351 = arith.select %lt3A_347, %add3A_350, %broadcast_in_dim3A_344 : vector<16xi1>, vector<16xi32>
        %broadcast_in_dim3A_352 = vector.shape_cast %select_n3A_351 : vector<16xi32> to vector<16x1xi32>
        %gather3A_353 = vector.shape_cast %broadcast_in_dim3A_352 : vector<16x1xi32> to vector<16xi32>
        %gather3A_354 = tpu.dynamic_gather %mul3A_65[%gather3A_353] in [0] : vector<16xi32>, vector<16xi32> -> vector<16xi32>
        %add3A_355 = arith.addi %gather3A_354, %add3A_20 : vector<16xi32>
        %gather3A_356 = tpu.vector_load_idx %arg6[%add3A_355] : memref<32768xi32, #tpu.memory_space<vmem>>[vector<16xi32>], vector<16xi32>,
        %bitcast3A_357 = vector.bitcast %gather3A_356 : vector<16xi32> to vector<32xbf16>
        %max3A_358 = arith.maximumf %max3A_338, %bitcast3A_357 : vector<32xbf16>
        %add3A_359 = arith.addi %gather3A_354, %add3A_24 : vector<16xi32>
        %gather3A_360 = tpu.vector_load_idx %arg6[%add3A_359] : memref<32768xi32, #tpu.memory_space<vmem>>[vector<16xi32>], vector<16xi32>,
        %bitcast3A_361 = vector.bitcast %gather3A_360 : vector<16xi32> to vector<32xbf16>
        %max3A_362 = arith.maximumf %max3A_342, %bitcast3A_361 : vector<32xbf16>
        %broadcast_in_dim3A_363 = arith.constant 15 : i32
        %broadcast_in_dim3A_364 = vector.broadcast %broadcast_in_dim3A_363 : i32 to vector<16xi32>
        %lt3A_365 = arith.constant 0 : i32
        %lt3A_366 = vector.broadcast %lt3A_365 : i32 to vector<16xi32>
        %lt3A_367 = arith.cmpi slt, %broadcast_in_dim3A_364, %lt3A_366 : vector<16xi32>
        %add3A_368 = arith.constant 16 : i32
        %add3A_369 = vector.broadcast %add3A_368 : i32 to vector<16xi32>
        %add3A_370 = arith.addi %broadcast_in_dim3A_364, %add3A_369 : vector<16xi32>
        %select_n3A_371 = arith.select %lt3A_367, %add3A_370, %broadcast_in_dim3A_364 : vector<16xi1>, vector<16xi32>
        %broadcast_in_dim3A_372 = vector.shape_cast %select_n3A_371 : vector<16xi32> to vector<16x1xi32>
        %gather3A_373 = vector.shape_cast %broadcast_in_dim3A_372 : vector<16x1xi32> to vector<16xi32>
        %gather3A_374 = tpu.dynamic_gather %mul3A_65[%gather3A_373] in [0] : vector<16xi32>, vector<16xi32> -> vector<16xi32>
        %add3A_375 = arith.addi %gather3A_374, %add3A_20 : vector<16xi32>
        %gather3A_376 = tpu.vector_load_idx %arg6[%add3A_375] : memref<32768xi32, #tpu.memory_space<vmem>>[vector<16xi32>], vector<16xi32>,
        %bitcast3A_377 = vector.bitcast %gather3A_376 : vector<16xi32> to vector<32xbf16>
        %max3A_378 = arith.maximumf %max3A_358, %bitcast3A_377 : vector<32xbf16>
        %add3A_379 = arith.addi %gather3A_374, %add3A_24 : vector<16xi32>
        %gather3A_380 = tpu.vector_load_idx %arg6[%add3A_379] : memref<32768xi32, #tpu.memory_space<vmem>>[vector<16xi32>], vector<16xi32>,
        %bitcast3A_381 = vector.bitcast %gather3A_380 : vector<16xi32> to vector<32xbf16>
        %max3A_382 = arith.maximumf %max3A_362, %bitcast3A_381 : vector<32xbf16>
        scf.yield %max3A_378, %max3A_382 : vector<32xbf16>, vector<32xbf16>
      }
      %scan3A_42 = arith.constant 13 : i32
      %bitcast3A = vector.bitcast %scan3A_41#0 : vector<32xbf16> to vector<16xi32>
      %mul3A_43 = arith.constant 128 : i32
      %mul3A_44 = arith.muli %scan3A_35, %mul3A_43 : i32
      %add3A_45 = arith.constant 0 : i32
      %add3A_46 = arith.addi %mul3A_44, %add3A_45 : i32
      %swap3A = arith.index_cast %add3A_46 : i32 to index
      %swap3A_47 = tpu.vector_load %arg8[%swap3A] {strides = array<i32>} : memref<16384xi32, #tpu.memory_space<vmem>>, vector<16xi32>,
      tpu.vector_store %arg8[%swap3A], %bitcast3A {strides = array<i32>} : memref<16384xi32, #tpu.memory_space<vmem>>, vector<16xi32>,
      %bitcast3A_48 = vector.bitcast %scan3A_41#1 : vector<32xbf16> to vector<16xi32>
      %mul3A_49 = arith.constant 128 : i32
      %mul3A_50 = arith.muli %scan3A_35, %mul3A_49 : i32
      %add3A_51 = arith.constant 16 : i32
      %add3A_52 = arith.addi %mul3A_50, %add3A_51 : i32
      %swap3A_53 = arith.index_cast %add3A_52 : i32 to index
      %swap3A_54 = tpu.vector_load %arg8[%swap3A_53] {strides = array<i32>} : memref<16384xi32, #tpu.memory_space<vmem>>, vector<16xi32>,
      tpu.vector_store %arg8[%swap3A_53], %bitcast3A_48 {strides = array<i32>} : memref<16384xi32, #tpu.memory_space<vmem>>, vector<16xi32>,
    }
    %scan3A_32 = arith.constant 128 : i32
    %mul3A_33 = arith.constant 16384 : i32
    %mul3A_34 = arith.muli %add3A, %mul3A_33 : i32
    "tpu.region"() ({
      %run_scoped3A = tpu.sem_alloc : memref<!tpu.dma_semaphore, #tpu.memory_space<semaphore_mem>>
      %dma_start3A_35 = tpu.memref_slice %arg4[%mul3A_34] : memref<524288xi32, #tpu.memory_space<hbm>> -> memref<16384xi32, #tpu.memory_space<hbm>>
      %dma_start3A_36 = tpu.memref_slice %arg4[%mul3A_34] : memref<524288xi32, #tpu.memory_space<hbm>> -> memref<16384xi32, #tpu.memory_space<hbm>>
      tpu.enqueue_dma source(%arg8 : memref<16384xi32, #tpu.memory_space<vmem>>) target(%dma_start3A_36 : memref<16384xi32, #tpu.memory_space<hbm>>) target_semaphore(%run_scoped3A : memref<!tpu.dma_semaphore, #tpu.memory_space<semaphore_mem>>)
      %dma_wait3A_37 = tpu.memref_slice %arg4[%mul3A_34] : memref<524288xi32, #tpu.memory_space<hbm>> -> memref<16384xi32, #tpu.memory_space<hbm>>
      %dma_wait3A_38 = tpu.memref_slice %arg4[%mul3A_34] : memref<524288xi32, #tpu.memory_space<hbm>> -> memref<16384xi32, #tpu.memory_space<hbm>>
      tpu.wait_dma2 semaphore(%run_scoped3A : memref<!tpu.dma_semaphore, #tpu.memory_space<semaphore_mem>>) src(%arg8 : memref<16384xi32, #tpu.memory_space<vmem>>) dst(%dma_wait3A_38 : memref<16384xi32, #tpu.memory_space<hbm>>)
      tpu.yield
    }) : () -> ()
    return
  }
}

module attributes {stable_mosaic.version = 14 : i64} {
  func.func @body(%arg0: i32, %arg1: memref<512x128xi32, #tpu.memory_space<vmem>>, %arg2: memref<32x128xf32, #tpu.memory_space<vmem>>, %arg3: memref<32x128xf32, #tpu.memory_space<vmem>>, %arg4: memref<128x1xf32, #tpu.memory_space<vmem>>, %arg5: memref<128x512xf32, #tpu.memory_space<vmem>>) attributes {dimension_semantics = [#tpu.dimension_semantics<arbitrary>], iteration_bounds = array<i64: 8>, scalar_prefetch = 0 : i64, scratch_operands = 0 : i64, tpu.core_type = #tpu.core_type<tc>, window_params = [{transform_indices = @transform_0, window_bounds = array<i64: 512, 128>}, {pipeline_mode = #tpu.pipeline_mode<synchronous>, transform_indices = @transform_1, window_bounds = array<i64: 32, 128>}, {pipeline_mode = #tpu.pipeline_mode<synchronous>, transform_indices = @transform_2, window_bounds = array<i64: 32, 128>}, {pipeline_mode = #tpu.pipeline_mode<synchronous>, transform_indices = @transform_3, window_bounds = array<i64: 128, 1>}, {transform_indices = @transform_4, window_bounds = array<i64: 128, 512>}]} {
    %get3A = arith.constant 0 : index
    %get3A_0 = arith.constant 0 : index
    %get3A_1 = vector.load %arg1[%get3A, %get3A_0] : memref<512x128xi32, #tpu.memory_space<vmem>>, vector<512x128xi32>
    %slice3A = vector.extract_strided_slice %get3A_1 {offsets = [0, 0], sizes = [512, 32], strides = [1, 1]} : vector<512x128xi32> to vector<512x32xi32>
    %shift_left3A = arith.constant 16 : i32
    %shift_left3A_2 = vector.broadcast %shift_left3A : i32 to vector<512x32xi32>
    %shift_left3A_3 = arith.shli %slice3A, %shift_left3A_2 : vector<512x32xi32>
    %bitcast_convert_type3A = tpu.bitcast %shift_left3A_3 : vector<512x32xi32> -> vector<512x32xf32>
    %and3A = arith.constant -65536 : i32
    %and3A_4 = vector.broadcast %and3A : i32 to vector<512x32xi32>
    %and3A_5 = arith.andi %slice3A, %and3A_4 : vector<512x32xi32>
    %bitcast_convert_type3A_6 = tpu.bitcast %and3A_5 : vector<512x32xi32> -> vector<512x32xf32>
    %get3A_7 = arith.constant 0 : index
    %get3A_8 = arith.constant 0 : index
    %get3A_9 = vector.load %arg2[%get3A_7, %get3A_8] : memref<32x128xf32, #tpu.memory_space<vmem>>, vector<32x128xf32>
    %dot_general3A = arith.constant dense<0.000000e+00> : vector<128x512xf32>
    %dot_general3A_10 = tpu.matmul %get3A_9, %bitcast_convert_type3A, %dot_general3A {dimension_numbers = #tpu.dot_dimension_numbers<[0], [1], [1], [0], [0, 1, 1, 0], [], []>, transpose_lhs_hint = false} : vector<32x128xf32>, vector<512x32xf32>, vector<128x512xf32> -> vector<128x512xf32>
    %get3A_11 = arith.constant 0 : index
    %get3A_12 = arith.constant 0 : index
    %get3A_13 = vector.load %arg3[%get3A_11, %get3A_12] : memref<32x128xf32, #tpu.memory_space<vmem>>, vector<32x128xf32>
    %dot_general3A_14 = arith.constant dense<0.000000e+00> : vector<128x512xf32>
    %dot_general3A_15 = tpu.matmul %get3A_13, %bitcast_convert_type3A_6, %dot_general3A_14 {dimension_numbers = #tpu.dot_dimension_numbers<[0], [1], [1], [0], [0, 1, 1, 0], [], []>, transpose_lhs_hint = false} : vector<32x128xf32>, vector<512x32xf32>, vector<128x512xf32> -> vector<128x512xf32>
    %add3A = arith.addf %dot_general3A_10, %dot_general3A_15 : vector<128x512xf32>
    %get3A_16 = arith.constant 0 : index
    %get3A_17 = arith.constant 0 : index
    %get3A_18 = vector.load %arg4[%get3A_16, %get3A_17] : memref<128x1xf32, #tpu.memory_space<vmem>>, vector<128x1xf32>
    %add3A_19 = vector.broadcast %get3A_18 : vector<128x1xf32> to vector<128x512xf32>
    %add3A_20 = arith.addf %add3A, %add3A_19 : vector<128x512xf32>
    %reduce_max3A = arith.constant dense<0xFF800000> : vector<512xf32>
    %reduce_max3A_21 = vector.multi_reduction <maximumf>, %add3A_20, %reduce_max3A [0] : vector<128x512xf32> to vector<512xf32>
    %broadcast_in_dim3A = vector.shape_cast %reduce_max3A_21 : vector<512xf32> to vector<1x512xf32>
    %sub3A = vector.broadcast %broadcast_in_dim3A : vector<1x512xf32> to vector<128x512xf32>
    %sub3A_22 = arith.subf %add3A_20, %sub3A : vector<128x512xf32>
    %exp3A = math.exp %sub3A_22 : vector<128x512xf32>
    %reduce_sum3A = arith.constant dense<0.000000e+00> : vector<512xf32>
    %reduce_sum3A_23 = vector.multi_reduction <add>, %exp3A, %reduce_sum3A [0] : vector<128x512xf32> to vector<512xf32>
    %broadcast_in_dim3A_24 = vector.shape_cast %reduce_sum3A_23 : vector<512xf32> to vector<1x512xf32>
    %div3A = vector.broadcast %broadcast_in_dim3A_24 : vector<1x512xf32> to vector<128x512xf32>
    %div3A_25 = arith.divf %exp3A, %div3A : vector<128x512xf32>
    %swap3A = arith.constant 0 : index
    %swap3A_26 = arith.constant 0 : index
    %swap3A_27 = vector.load %arg5[%swap3A, %swap3A_26] : memref<128x512xf32, #tpu.memory_space<vmem>>, vector<128x512xf32>
    tpu.vector_store %arg5[%swap3A, %swap3A_26], %div3A_25 {strides = array<i32>} : memref<128x512xf32, #tpu.memory_space<vmem>>, vector<128x512xf32>,
    return
  }
  func.func @transform_0(%arg0: i32) -> (i32, i32) {
    %c0_i32 = arith.constant 0 : i32
    %c0_i32_0 = arith.constant 0 : i32
    return %arg0, %c0_i32 : i32, i32
  }
  func.func @transform_1(%arg0: i32) -> (i32, i32) {
    %c0_i32 = arith.constant 0 : i32
    %c0_i32_0 = arith.constant 0 : i32
    %c0_i32_1 = arith.constant 0 : i32
    return %c0_i32, %c0_i32_0 : i32, i32
  }
  func.func @transform_2(%arg0: i32) -> (i32, i32) {
    %c0_i32 = arith.constant 0 : i32
    %c0_i32_0 = arith.constant 0 : i32
    %c0_i32_1 = arith.constant 0 : i32
    return %c0_i32, %c0_i32_0 : i32, i32
  }
  func.func @transform_3(%arg0: i32) -> (i32, i32) {
    %c0_i32 = arith.constant 0 : i32
    %c0_i32_0 = arith.constant 0 : i32
    %c0_i32_1 = arith.constant 0 : i32
    return %c0_i32, %c0_i32_0 : i32, i32
  }
  func.func @transform_4(%arg0: i32) -> (i32, i32) {
    %c0_i32 = arith.constant 0 : i32
    %c0_i32_0 = arith.constant 0 : i32
    return %c0_i32, %arg0 : i32, i32
  }
}

</mosaic_0001>

<sc_bundles>
// kernel: kernel.4.cloned.1.call-start
scs
__scs_entry_jumppad:
0x0: {  	(pc) =	sbr.rel $0x88, $3  }
0x1: {  	(tag) =	ssettag $0x0;
	lr =	simm.s32 $0x1  }
0x2: {  	[smem:$0x3F9D] =	sst lr;
	_ =	strace $0xD0000000  }
0x3: {  	_ = 	snop  }
0x4: {  	_ = 	snop  }
0x5: {  	_ = 	snop  }
0x6: {  	_ = 	snop  }
0x7: {  	_ = 	snop  }
__scs_overlays_trampoline_lowered:
0x8: {  	[smem:$0x3FAC] =	sst s0  }
0x9: {  	[smem:$0x3FAD] =	sst s1  }
0xa: {  	[smem:$0x3FAE] =	sst s2  }
0xb: {  	[smem:$0x3FAF] =	sst s3  }
0xc: {  	[smem:$0x3FB0] =	sst s4  }
0xd: {  	[smem:$0x3FB1] =	sst s5  }
0xe: {  	[smem:$0x3FB2] =	sst s6  }
0xf: {  	[smem:$0x3FB3] =	sst s7  }
0x10: {  	[smem:$0x3FB4] =	sst s8  }
0x11: {  	[smem:$0x3FB5] =	sst s9;
	s0 =	simm.s32 @!p0 $0x0  }
0x12: {  	s1 =	sld [smem:$0x3F9B];
	s0 =	simm.s32 @p0 $0x1  }
0x13: {  	[smem:$0x3FB6] =	sst s0;
	s0 =	simm.s32 @!p1 $0x0  }
0x14: {  	s2 =	sld [smem:$0x3F9A];
	s0 =	simm.s32 @p1 $0x1  }
0x15: {  	[smem:$0x3FB7] =	sst s0;
	s0 =	simm.s32 @!p2 $0x0  }
0x16: {  	s3 =	sld [smem:$0x3FDB];
	s0 =	simm.s32 @p2 $0x1  }
0x17: {  	s4 =	simm.s32 $0x1BF5;
	[smem:$0x3FB9] =	sst s0  }
0x18: {  	s0 =	sld [smem:$0x3F9C];
	_ =	swait.ge [sflag:s4], $0x0  }
0x19: {  	s7 =	sld [smem:$0x3F9D]  }
0x1a: {  	s8 =	sadd.s32 $0xFFFFE003, lr  }
0x1b: {  	s9 =	sadd.s32 $0xFFFFFEF7, lr;
	s5 =	simm.s32 $0xFFFFFFFF;
	p2 =	slt.u32 s8, $0xFFFFF086  }
0x1c: {  	p1 =	slt.u32 s9, $0xF7A;
	s5 =	simm.s32 @!p2 $0x0  }
0x1d: {  	s5 =	simm.s32 @p1 $0x1;
	p0 =	seq.s32 s7, s2  }
0x1e: {  	s7 =	smul.u32 @!p0 $0xF7A, s2;
	p2 =	seq.s32 @!p0 s5, $0x0  }
0x1f: {  	s9 =	smul.u32 $0xF7A, s1;
	s8 =	simm.s32 @!p0 $0x1BF5;
	p2 =	por !p2, p0  }
0x20: {  	[sflag:s8] =	ssyncset.s32 @!p0 $0xFFFFF086;
	s6 =	sadd.s32 @!p0 s3, s7;
	s7 =	simm.s32 @!p0 $0x108  }
0x21: {  	s3 =	sadd.s32 s3, s9;
	s6 =	sadd.s32 @!p0 $0x88, s6;
	s7 =	simm.s32 @p2 $0x1082  }
0x22: {  	[simem:s7], [sflag:s8] =	dma.local @!p0 [hbm:s6], $0xF7A  }
0x23: {  	s9 =	sor.u32 $0xD0000000, s2;
	s6 =	simm.s32 $0x108;
	_ =	swait.ge @!p0 [sflag:s8], $0x0  }
0x24: {  	s3 =	sadd.s32 $0x88, s3;
	s6 =	simm.s32 @!p1 $0x1082;
	[sflag:s4] =	ssyncset.s32 $0xFFFFF086  }
0x25: {  	[simem:s6], [sflag:s4] =	dma.local [hbm:s3], $0xF7A  }
0x26: {  	[smem:$0x3F9D] =	sst s1;
	(tag) =	ssettag s2;
	_ =	strace s9  }
0x27: {  	s1 =	sld [smem:$0x3FAD]  }
0x28: {  	s2 =	sld [smem:$0x3FAE]  }
0x29: {  	s4 =	sld [smem:$0x3FB0]  }
0x2a: {  	p0 =	seq.s32 s5, $0x0;
	s5 =	sld [smem:$0x3FB1]  }
0x2b: {  	s6 =	sld [smem:$0x3FB2]  }
0x2c: {  	s7 =	sld [smem:$0x3FB3]  }
0x2d: {  	s3 =	simm.s32 $0x108;
	s8 =	sld [smem:$0x3FB4]  }
0x2e: {  	s3 =	simm.s32 @!p0 $0x1082;
	s9 =	sld [smem:$0x3FB5]  }
0x2f: {  	lr =	sadd.s32 s0, s3;
	s0 =	sld [smem:$0x3FAC]  }
0x30: {  	s3 =	sld [smem:$0x3FAF]  }
0x31: {  	[smem:$0x3FB8] =	sst s10  }
0x32: {  	s10 =	sld [smem:$0x3FB6];
	_ =	sdelay $0x3  }
0x33: {  	p0 =	seq.s32 s10, $0x1;
	s10 =	sld [smem:$0x3FB8];
	_ =	sdelay $0x3  }
0x34: {  	[smem:$0x3FB8] =	sst s10  }
0x35: {  	s10 =	sld [smem:$0x3FB7];
	_ =	sdelay $0x3  }
0x36: {  	p1 =	seq.s32 s10, $0x1;
	s10 =	sld [smem:$0x3FB8];
	_ =	sdelay $0x3  }
0x37: {  	[smem:$0x3FB8] =	sst s10  }
0x38: {  	s10 =	sld [smem:$0x3FB9]  }
0x39: {  	_ = 	snop;
	(pc) =	sbr.ind lr, $3  }
0x3a: {  	_ = 	snop  }
0x3b: {  	_ = 	snop  }
0x3c: {  	p2 =	seq.s32 s10, $0x1;
	s10 =	sld [smem:$0x3FB8]  }
0x3d: {  	_ =	shalt  }
0x3e: {  	_ =	shalt  }
0x3f: {  	_ =	shalt  }
0x40: {  	_ =	shalt  }
0x41: {  	_ =	shalt  }
0x42: {  	_ =	shalt  }
0x43: {  	_ =	shalt  }
0x44: {  	_ =	shalt  }
0x45: {  	_ =	shalt  }
0x46: {  	_ =	shalt  }
0x47: {  	_ =	shalt  }
0x48: {  	_ =	shalt  }
0x49: {  	_ =	shalt  }
0x4a: {  	_ =	shalt  }
0x4b: {  	_ =	shalt  }
0x4c: {  	_ =	shalt  }
0x4d: {  	_ =	shalt  }
0x4e: {  	_ =	shalt  }
0x4f: {  	_ =	shalt  }
0x50: {  	_ =	shalt  }
0x51: {  	_ =	shalt  }
0x52: {  	_ =	shalt  }
0x53: {  	_ =	shalt  }
0x54: {  	_ =	shalt  }
0x55: {  	_ =	shalt  }
0x56: {  	_ =	shalt  }
0x57: {  	_ =	shalt  }
0x58: {  	_ =	shalt  }
0x59: {  	_ =	shalt  }
0x5a: {  	_ =	shalt  }
0x5b: {  	_ =	shalt  }
0x5c: {  	_ =	shalt  }
0x5d: {  	_ =	shalt  }
0x5e: {  	_ =	shalt  }
0x5f: {  	_ =	shalt  }
0x60: {  	_ =	shalt  }
0x61: {  	_ =	shalt  }
0x62: {  	_ =	shalt  }
0x63: {  	_ =	shalt  }
0x64: {  	_ =	shalt  }
0x65: {  	_ =	shalt  }
0x66: {  	_ =	shalt  }
0x67: {  	_ =	shalt  }
0x68: {  	_ =	shalt  }
0x69: {  	_ =	shalt  }
0x6a: {  	_ =	shalt  }
0x6b: {  	_ =	shalt  }
0x6c: {  	_ =	shalt  }
0x6d: {  	_ =	shalt  }
0x6e: {  	_ =	shalt  }
0x6f: {  	_ =	shalt  }
0x70: {  	_ =	shalt  }
0x71: {  	_ =	shalt  }
0x72: {  	_ =	shalt  }
0x73: {  	_ =	shalt  }
0x74: {  	_ =	shalt  }
0x75: {  	_ =	shalt  }
0x76: {  	_ =	shalt  }
0x77: {  	_ =	shalt  }
0x78: {  	_ =	shalt  }
0x79: {  	_ =	shalt  }
0x7a: {  	_ =	shalt  }
0x7b: {  	_ =	shalt  }
0x7c: {  	_ =	shalt  }
0x7d: {  	_ =	shalt  }
0x7e: {  	_ =	shalt  }
0x7f: {  	_ =	shalt  }
0x80: {  	_ =	shalt  }
0x81: {  	_ =	shalt  }
0x82: {  	_ =	shalt  }
0x83: {  	_ =	shalt  }
0x84: {  	_ =	shalt  }
0x85: {  	_ =	shalt  }
0x86: {  	_ =	shalt  }
0x87: {  	_ =	shalt  }
.Lfunc_end0:
.L_simem_size_0:
called_computation_lowered:
.L_overlay_start_0:
0x88: {  	s2 =	sld [smem:$0x3FD9]  }
0x89: {  	s3 =	sld [smem:$0x3FFE];
	_ =	sdelay $0x1  }
0x8a: {  	s1 =	srdreg.scid  }
0x8b: {  	s0 =	sand.u32 $0x1, s1  }
0x8c: {  	s17 =	sshll.u32 s0, $0xA;
	s2 =	sadd.s32 s3, s2  }
0x8d: {  	s2 =	sadd.s32 s2, s17  }
0x8e: {  	[smem:$0x3FC4] =	sst s2  }
0x8f: {  	_ = 	snop  }
0x90: {  	s2 =	sld [smem:$0x3FC9];
	(tm) =	ssettm $0x1  }
0x91: {  	s18 =	sld [smem:$0x3FFB];
	_ =	sdelay $0x3  }
0x92: {  	_ =	strace s18  }
0x93: {  	s3 =	sld [smem:$0x3FFC];
	_ =	sdelay $0x3  }
0x94: {  	_ =	strace s3  }
0x95: {  	s3 =	sld [smem:$0x3FFD];
	_ =	sdelay $0x3  }
0x96: {  	_ =	strace s3  }
0x97: {  	_ =	strace $0x8FFFFFFF  }
0x98: {  	s19 =	sld [smem:$0x3FDB];
	_ =	sdelay $0x1  }
0x99: {  	s4 =	simm.s32 $_scs_section_size  }
0x9a: {  	s5 =	simm.s32 $_size__tile_overlayer_lowered;
	s6 =	simm.s32 $_tile_overlayer_lowered  }
0x9b: {  	s22 =	simm.s32 $0x1BFF;
	s21 =	sshll.u32 s6, $0x1;
	s3 =	sadd.s32 s4, s19  }
0x9c: {  	s7 =	simm.s32 $0x0;
	s20 =	sshll.u32 s5, $0x1;
	s5 =	sadd.s32 s21, s3  }
0x9d: {  	[timem:s7], [sflag:s22] =	dma.local [hbm:s5], s20  }
0x9e: {  	_ =	swait.ge [sflag:s22], s20  }
0x9f: {  	s4 =	ssub.s32 $0x0, s20;
	[sflag:s22] =	ssyncset.done $0x0  }
0xa0: {  	[sflag:s22] =	ssyncadd.s32 s4;
	_ =	sdelay $0x1  }
0xa1: {  	s23 =	simm.s32 $0x1B8B  }
0xa2: {  	_ =	swait.ge [sflag:s23], $0x1  }
0xa3: {  	[sflag:s23] =	ssyncset.done $0x0  }
0xa4: {  	s25 =	simm.s32 $0x1B8E;
	s24 =	sld [smem:$0x3FFE];
	[sflag:s23] =	ssyncadd.s32 $0xFFFFFFFF  }
0xa5: {  	s26 =	simm.s32 $execute0_lowered;
	[smem:$0x3FD2] =	sst s25  }
0xa6: {  	s5 =	sshll.u32 s26, $0x1;
	_ =	strace $0x80000046;
	[dreg:$0x1] =	wrdreg $0xFFFFFFFF  }
0xa7: {  	s28 =	simm.s32 $_size_execute0_lowered;
	s3 =	sadd.s32 s3, s5;
	[dreg:$0x0] =	wrdreg $0x0  }
0xa8: {  	s5 =	sshll.u32 s28, $0x1;
	[dreg:$0x2] =	wrdreg s3  }
0xa9: {  	[dreg:$0x3] =	wrdreg s5  }
0xaa: {  	[dreg:$0x4] =	wrdreg $0xC0  }
0xab: {  	_ =	task [dreg:s7], $0x5FFFF  }
0xac: {  	[dreg:$0x1] =	wrdreg $0xFFFFFFFF  }
0xad: {  	[dreg:$0x0] =	wrdreg $0x60  }
0xae: {  	[dreg:$0x2] =	wrdreg s2  }
0xaf: {  	[dreg:$0x3] =	wrdreg s24  }
0xb0: {  	[dreg:$0x4] =	wrdreg $0x144000  }
0xb1: {  	[dreg:$0x5] =	wrdreg $0x9  }
0xb2: {  	_ =	task.clear_ibuf [dreg:s7], $0x6FFFF;
	_ =	strace $0x90000046  }
0xb3: {  	s29 =	simm.s32 $0x9;
	_ =	strace $0x80000048  }
0xb4: {  	_ =	swait.ge [sflag:s29], $0x1  }
0xb5: {  	[sflag:s29] =	ssyncadd.s32 $0xFFFFFFFF  }
0xb6: {  	_ =	strace $0x90000048  }
0xb7: {  	_ =	sfence  }
0xb8: {  	s30 =	sld [smem:$0x0];
	_ =	sdelay $0x2  }
0xb9: {  	s31 =	sshll.u32 s1, $0xD;
	s1 =	sshrl.u32 s1, $0x2  }
0xba: {  	s3 =	sand.u32 $0x4000, s31;
	s1 =	sadd.s32 s1, s30  }
0xbb: {  	s0 =	sor.u32 s3, s0;
	s1 =	sshll.u32 s1, $0x11  }
0xbc: {  	s0 =	sor.u32 s1, s0  }
0xbd: {  	s0 =	sadd.s32 $0x8F2B, s0  }
0xbe: {  	[sflag:s0] =	ssyncadd.remote.s32 $0x1  }
0xbf: {  	_ =	sfence.sel $0xFFFF  }
0xc0: {  	[dreg:$0x0] =	wrdreg $0xFFFFFFFF;
	(pc) =	sbr.abs _section_cstart, $3  }
0xc1: {  	[dreg:$0x1] =	wrdreg $0xFFFFFFFF  }
0xc2: {  	_ =	task.clear_ibuf [dreg:s7], $0x2FFFF;
	_ =	strace $0x9FFFFFFF  }
0xc3: {  	(tm) =	ssettm $0x7FFFFFFF  }
tec
execute0_lowered:
.L_overlay_start_1:
0x0: {  	(tag) =	ssettag $0x1  }
0x1: {  	s4 =	rddreg [dreg:$0x0]  }
0x2: {  	s5 =	rddreg [dreg:$0x1]  }
0x3: {  	s2 =	rddreg [dreg:$0x2]  }
0x4: {  	s0 =	rddreg [dreg:$0x3]  }
0x5: {  	s3 =	simm.s32 $0x0;
	s1 =	stileid.u32;
	s6 =	srdreg.scid  }
0x6: {  	s11 =	simm.s32 $0xA000;
	s12 =	simm.s32 $0x2;
	s13 =	simm.s32 $0x10400  }
0x7: {  	s14 =	simm.s32 $0x2000;
	s15 =	simm.s32 $0x1;
	s16 =	simm.s32 $0x0  }
0x8: {  	v0 =	vlaneseq.u32;
	[smem:$0x7FF] =	sst s3;
	s6 =	sand.u32 $0x1, s6;
	s7 =	sshll.u32 s1, $0x1  }
0x9: {  	v2 =	vimm.s32 $0x7;
	v3 =	vimm.s32 $0x5;
	v4 =	vimm.s32 $0x0;
	s8 =	sshll.u32 s1, $0xA;
	s31 =	sshll.u32 s1, $0xB;
	_ =	strace $0x80000047  }
0xa: {  	v6 =	vimm.s32 $0x1;
	v7 =	vimm.s32 $0x2;
	v8 =	vimm.s32 $0x3;
	s7 =	sor.u32 s6, s7;
	s8 =	sadd.s32 s8, s5;
	s6 =	ssub.s32 $0x2, s6  }
0xb: {  	v9 =	vimm.s32 $0x4;
	v10 =	vimm.s32 $0x6;
	v11 =	vimm.s32 $0x8;
	s9 =	sshll.u32 s7, $0xB;
	s30 =	sshrl.u32 s6, $0x1;
	s7 =	sshll.u32 s7, $0x7  }
0xc: {  	v12 =	vimm.s32 $0x9;
	v13 =	vimm.s32 $0xA;
	v14 =	vimm.s32 $0xB;
	s9 =	sadd.s32 s9, s5;
	s10 =	ssub.s32 s6, s30;
	s4 =	sadd.s32 s4, s7  }
0xd: {  	v15 =	vimm.s32 $0xC;
	v16 =	vimm.s32 $0xD;
	v17 =	vimm.s32 $0xE;
	s5 =	sadd.s32 $0xE00, s8;
	s6 =	sadd.s32 s31, s2;
	s7 =	sadd.s32 $0x4E00, s9  }
0xe: {  	v18 =	vimm.s32 $0xF;
	v1 =	vmul.u32 $0x80, v0;
	v5 =	vor.u32 $0x10, v0;
	s8 =	smax.u32 s10, $0x1;
	s9 =	simm.s32 $0x400;
	s10 =	simm.s32 $0x8000  }
.LBB2_1:
0xf: {  	[tilespmem:s11], [sflag:$0x1] =	stream.strided.gather [hbm4b:s4+s9], $0x6400, s10, s9, $0x38;
	[tilespmem:$0x14C00] =	vst v63  }
0x10: {  	_ = 	snop  }
0x11: {  	[tilespmem:s3], [sflag:$0x2] =	stream.linear.gather [hbm4b:s5+s3], $0x2000, $0x38;
	[tilespmem:$0x14C00] =	vst v63  }
0x12: {  	_ =	swait.ge [sflag:s12], $0x2000  }
0x13: {  	[sflag:s12] =	ssyncset.done $0x0  }
0x14: {  	s17 =	simm.s32 $0x100;
	[sflag:s12] =	ssyncadd.s32 $0xFFFFE000  }
0x15: {  	v19 =	vld [tilespmem:s17+$0xFFFFFF00]  }
0x16: {  	v20 =	vld [tilespmem:s17+$0xFFFFFF10];
	_ =	sdelay $0x4  }
0x17: {  	s18 =	simm.s32 $0x10440;
	v19 =	vpack.i.f32.bf16 v20, v19  }
0x18: {  	[tilespmem:s18+$0xFFFFFFC0] =	vst v19  }
0x19: {  	v19 =	vld [tilespmem:s17+$0xFFFFFF30]  }
0x1a: {  	v20 =	vld [tilespmem:s17+$0xFFFFFF20];
	_ =	sdelay $0x4  }
0x1b: {  	v19 =	vpack.i.f32.bf16 v19, v20  }
0x1c: {  	[tilespmem:s18+$0xFFFFFFD0] =	vst v19  }
0x1d: {  	v19 =	vld [tilespmem:s17+$0xFFFFFF80]  }
0x1e: {  	v20 =	vld [tilespmem:s17+$0xFFFFFF90];
	_ =	sdelay $0x4  }
0x1f: {  	v19 =	vpack.i.f32.bf16 v20, v19  }
0x20: {  	[tilespmem:s18+$0xFFFFFFE0] =	vst v19  }
0x21: {  	v19 =	vld [tilespmem:s17+$0xFFFFFFA0]  }
0x22: {  	v20 =	vld [tilespmem:s17+$0xFFFFFFB0];
	_ =	sdelay $0x3  }
0x23: {  	s19 =	simm.s32 $0x20  }
0x24: {  	s19 =	sor.u32 $0x30, s19;
	v19 =	vpack.i.f32.bf16 v20, v19  }
0x25: {  	[tilespmem:s19+$0x10400] =	vst v19  }
0x26: {  	v19 =	vld [tilespmem:s17+$0x0]  }
0x27: {  	v20 =	vld [tilespmem:s17+$0x10];
	_ =	sdelay $0x4  }
0x28: {  	v19 =	vpack.i.f32.bf16 v20, v19  }
0x29: {  	[tilespmem:s18+$0x0] =	vst v19  }
0x2a: {  	v19 =	vld [tilespmem:s17+$0x20]  }
0x2b: {  	v20 =	vld [tilespmem:s17+$0x30];
	_ =	sdelay $0x3  }
0x2c: {  	s31 =	simm.s32 $0x40  }
0x2d: {  	s19 =	sor.u32 $0x50, s31;
	v19 =	vpack.i.f32.bf16 v20, v19  }
0x2e: {  	[tilespmem:s19+$0x10400] =	vst v19  }
0x2f: {  	v19 =	vld [tilespmem:s17+$0x80]  }
0x30: {  	v20 =	vld [tilespmem:s17+$0x90];
	_ =	sdelay $0x4  }
0x31: {  	s20 =	simm.s32 $0x60;
	v19 =	vpack.i.f32.bf16 v20, v19  }
0x32: {  	s22 =	sor.u32 $0x70, s20;
	s20 =	simm.s32 $0x100;
	s19 =	simm.s32 $0xE0;
	[tilespmem:s18+$0x20] =	vst v19  }
.LBB2_2:
0x33: {  	p0 =	sne.s32 s19, $0x7E0;
	v19 =	vld [tilespmem:s17+$0xA0];
	s18 =	sadd.s32 $0x80, s18;
	s20 =	sadd.s32 $0x200, s20  }
0x34: {  	s21 =	smov.u32 s19;
	s19 =	sadd.s32 $0x80, s19;
	v20 =	vld [tilespmem:s17+$0xB0];
	s17 =	smov.u32 s20  }
0x35: {  	_ =	sdelay $0x3  }
0x36: {  	v19 =	vpack.i.f32.bf16 v20, v19  }
0x37: {  	[tilespmem:s22+$0x10400] =	vst v19  }
0x38: {  	v19 =	vld [tilespmem:s20+$0xFFFFFF00]  }
0x39: {  	v20 =	vld [tilespmem:s20+$0xFFFFFF10];
	_ =	sdelay $0x4  }
0x3a: {  	v19 =	vpack.i.f32.bf16 v20, v19  }
0x3b: {  	[tilespmem:s18+$0xFFFFFFC0] =	vst v19  }
0x3c: {  	v19 =	vld [tilespmem:s20+$0xFFFFFF30]  }
0x3d: {  	v20 =	vld [tilespmem:s20+$0xFFFFFF20];
	_ =	sdelay $0x4  }
0x3e: {  	v19 =	vpack.i.f32.bf16 v19, v20  }
0x3f: {  	[tilespmem:s18+$0xFFFFFFD0] =	vst v19  }
0x40: {  	v19 =	vld [tilespmem:s20+$0xFFFFFF80]  }
0x41: {  	v20 =	vld [tilespmem:s20+$0xFFFFFF90];
	_ =	sdelay $0x4  }
0x42: {  	v19 =	vpack.i.f32.bf16 v20, v19  }
0x43: {  	[tilespmem:s18+$0xFFFFFFE0] =	vst v19  }
0x44: {  	v19 =	vld [tilespmem:s20+$0xFFFFFFA0]  }
0x45: {  	v20 =	vld [tilespmem:s20+$0xFFFFFFB0]  }
0x46: {  	s22 =	sadd.s32 $0xFFFFFFC0, s21  }
0x47: {  	s22 =	sor.u32 $0x30, s22;
	_ =	sdelay $0x2  }
0x48: {  	v19 =	vpack.i.f32.bf16 v20, v19  }
0x49: {  	[tilespmem:s22+$0x10400] =	vst v19  }
0x4a: {  	v19 =	vld [tilespmem:s20+$0x0]  }
0x4b: {  	v20 =	vld [tilespmem:s20+$0x10];
	_ =	sdelay $0x4  }
0x4c: {  	v19 =	vpack.i.f32.bf16 v20, v19  }
0x4d: {  	[tilespmem:s18+$0x0] =	vst v19  }
0x4e: {  	s22 =	sadd.s32 $0xFFFFFFE0, s21;
	v19 =	vld [tilespmem:s20+$0x20]  }
0x4f: {  	s22 =	sor.u32 $0x50, s22;
	v20 =	vld [tilespmem:s20+$0x30];
	_ =	sdelay $0x4  }
0x50: {  	v19 =	vpack.i.f32.bf16 v20, v19  }
0x51: {  	[tilespmem:s22+$0x10400] =	vst v19  }
0x52: {  	v19 =	vld [tilespmem:s20+$0x80]  }
0x53: {  	v20 =	vld [tilespmem:s20+$0x90];
	_ =	sdelay $0x1  }
.Ltmp0:
0x54: {  	(pc) =	sbr.rel @p0 .LBB2_2-.Ltmp0, $3  }
0x55: {  	_ =	sdelay $0x1  }
0x56: {  	v19 =	vpack.i.f32.bf16 v20, v19  }
0x57: {  	s22 =	sor.u32 $0x70, s21;
	[tilespmem:s18+$0x20] =	vst v19  }
0x58: {  	v19 =	vld [tilespmem:s17+$0xA0]  }
0x59: {  	v20 =	vld [tilespmem:s17+$0xB0];
	_ =	sdelay $0x4  }
0x5a: {  	v19 =	vpack.i.f32.bf16 v20, v19  }
0x5b: {  	[tilespmem:s22+$0x10400] =	vst v19  }
0x5c: {  	[spmem:s6] =	stream.linear.scatter [tilespmem:s13], [sflag:$0x2], $0x800, $0x38;
	[tilespmem:$0x14C00] =	vst v63  }
0x5d: {  	_ =	swait.ge [sflag:s12], $0x800  }
0x5e: {  	[sflag:s12] =	ssyncset.done $0x0  }
0x5f: {  	[sflag:s12] =	ssyncadd.s32 $0xFFFFF800  }
0x60: {  	[bflag:$0x0] =	sbarrier.arrive $0xFFFF  }
0x61: {  	[tilespmem:s14], [sflag:$0x2] =	stream.linear.gather [spmem:s2], $0x8000, $0x38;
	[tilespmem:$0x14C00] =	vst v63  }
0x62: {  	_ =	swait.ge [sflag:s12], $0x8000  }
0x63: {  	[sflag:s12] =	ssyncset.done $0x0  }
0x64: {  	[sflag:s12] =	ssyncadd.s32 $0xFFFF8000  }
0x65: {  	_ =	swait.ge [sflag:s15], $0x6400  }
0x66: {  	[sflag:s15] =	ssyncset.done $0x0  }
0x67: {  	s17 =	simm.s32 $0x0;
	s18 =	simm.s32 $0x0;
	[sflag:s15] =	ssyncadd.s32 $0xFFFF9C00  }
.LBB2_4:
0x68: {  	v19 =	vmov s18;
	s19 =	smin.u32 s17, $0xB8  }
0x69: {  	v19 =	vand.u32 $0x7F, v19;
	v20 =	vmov s19  }
0x6a: {  	v21 =	vbroadcast v19, $0x0;
	v19 =	vshll.u32 v20, $0x7  }
0x6b: {  	v19 =	vadd.s32 v1, v19  }
0x6c: {  	v19 =	vor.u32 v21, v19;
	_ =	sdelay $0x4  }
0x6d: {  	v19 =	vld.idx.msk [tilespmem:v19+s11+$0x0], $0xffff;
	_ =	sdelay $0x4  }
0x6e: {  	v23 =	vshll.u32 v19, $0x5  }
0x6f: {  	v20 =	vperm.xlane v23, v14  }
0x70: {  	v28 =	vperm.xlane v23, v10  }
0x71: {  	v33 =	vperm.xlane v23, v4;
	v19 =	vadd.s32 v0, v20  }
0x72: {  	v26 =	vperm.xlane v23, v6;
	v22 =	vadd.s32 v0, v28  }
0x73: {  	v24 =	vperm.xlane v23, v7;
	v25 =	vadd.s32 v5, v33  }
0x74: {  	v29 =	vadd.s32 v0, v26  }
0x75: {  	v31 =	vperm.xlane v23, v8;
	v30 =	vadd.s32 v0, v24  }
0x76: {  	v32 =	vadd.s32 v5, v24;
	v19 =	vld.idx.msk [tilespmem:v19+s14+$0x0], $0xffff  }
0x77: {  	v35 =	vperm.xlane v23, v9;
	v34 =	vadd.s32 v0, v31;
	v24 =	vld.idx.msk [tilespmem:v22+s14+$0x0], $0xffff  }
0x78: {  	v36 =	vadd.s32 v5, v31;
	v27 =	vld.idx.msk [tilespmem:v25+s14+$0x0], $0xffff  }
0x79: {  	v39 =	vperm.xlane v23, v3;
	v37 =	vadd.s32 v0, v35;
	v31 =	vld.idx.msk [tilespmem:v29+s14+$0x0], $0xffff  }
0x7a: {  	v41 =	vadd.s32 v5, v35;
	v30 =	vld.idx.msk [tilespmem:v30+s14+$0x0], $0xffff  }
0x7b: {  	v38 =	vadd.s32 v0, v39;
	v25 =	vld.idx.msk [tilespmem:v32+s14+$0x0], $0xffff  }
0x7c: {  	v63 =	vperm.xlane v23, v2;
	v39 =	vadd.s32 v5, v39;
	v32 =	vld.idx.msk [tilespmem:v34+s14+$0x0], $0xffff  }
0x7d: {  	v42 =	vperm.xlane v23, v11;
	v29 =	vadd.s32 v5, v26;
	v26 =	vld.idx.msk [tilespmem:v36+s14+$0x0], $0xffff;
	v36 =	vadd.s32 v0, v33  }
0x7e: {  	v35 =	vimm.bf16 $-Inf;
	v40 =	vadd.s32 v5, v28;
	v22 =	vperm.xlane v23, v13;
	v33 =	vld.idx.msk [tilespmem:v37+s14+$0x0], $0xffff  }
0x7f: {  	s19 =	simm.s32 $0x10;
	v28 =	vld.idx.msk [tilespmem:v41+s14+$0x0], $0xffff;
	v41 =	vadd.s32 v0, v63;
	v37 =	vadd.s32 v5, v63;
	v34 =	vimm.bf16 $-Inf  }
.LBB2_5:
0x80: {  	s20 =	smin.u32 s19, $0xB8;
	p0 =	sne.s32 s19, $0xC0;
	s19 =	sadd.s32 $0x10, s19;
	v38 =	vld.idx.msk [tilespmem:v38+s14+$0x0], $0xffff;
	v43 =	vperm.xlane v23, v12;
	v44 =	vperm.xlane v23, v15  }
0x81: {  	v46 =	vadd.s32 v0, v42;
	v47 =	vperm.xlane v23, v18;
	v45 =	vmov s20;
	v39 =	vld.idx.msk [tilespmem:v39+s14+$0x0], $0xffff  }
0x82: {  	v42 =	vadd.s32 v5, v42;
	v48 =	vperm.xlane v23, v17;
	v45 =	vshll.u32 v45, $0x7;
	v36 =	vld.idx.msk [tilespmem:v36+s14+$0x0], $0xffff  }
0x83: {  	v23 =	vperm.xlane v23, v16;
	v49 =	vadd.s32 v0, v43;
	v45 =	vadd.s32 v1, v45;
	v40 =	vld.idx.msk [tilespmem:v40+s14+$0x0], $0xffff  }
0x84: {  	v45 =	vor.u32 v21, v45;
	v41 =	vld.idx.msk [tilespmem:v41+s14+$0x0], $0xffff  }
0x85: {  	v43 =	vadd.s32 v5, v43;
	v37 =	vld.idx.msk [tilespmem:v37+s14+$0x0], $0xffff  }
0x86: {  	v50 =	vadd.s32 v0, v44;
	v46 =	vld.idx.msk [tilespmem:v46+s14+$0x0], $0xffff  }
0x87: {  	v42 =	vld.idx.msk [tilespmem:v42+s14+$0x0], $0xffff  }
0x88: {  	v35 =	vmax.bf16 v35, v36;
	v36 =	vld.idx.msk [tilespmem:v49+s14+$0x0], $0xffff;
	v49 =	vadd.s32 v5, v47  }
0x89: {  	v31 =	vmax.bf16 v35, v31;
	v35 =	vadd.s32 v5, v48;
	v45 =	vld.idx.msk [tilespmem:v45+s11+$0x0], $0xffff  }
0x8a: {  	v30 =	vmax.bf16 v31, v30;
	v31 =	vadd.s32 v0, v22;
	v43 =	vld.idx.msk [tilespmem:v43+s14+$0x0], $0xffff  }
0x8b: {  	v30 =	vmax.bf16 v30, v32;
	v32 =	vld.idx.msk [tilespmem:v50+s14+$0x0], $0xffff;
	v50 =	vadd.s32 v5, v23  }
0x8c: {  	v48 =	vadd.s32 v0, v48;
	v30 =	vmax.bf16 v30, v33;
	v33 =	vadd.s32 v5, v20;
	v29 =	vld.idx.msk [tilespmem:v29+s14+$0x0], $0xffff  }
0x8d: {  	v20 =	vmax.bf16 v30, v38;
	v30 =	vadd.s32 v0, v23;
	v38 =	vadd.s32 v0, v47;
	v47 =	vld.idx.msk [tilespmem:v49+s14+$0x0], $0xffff  }
0x8e: {  	v44 =	vadd.s32 v5, v44;
	v20 =	vmax.bf16 v20, v24;
	v24 =	vadd.s32 v5, v22;
	v49 =	vld.idx.msk [tilespmem:v35+s14+$0x0], $0xffff  }
0x8f: {  	v27 =	vmax.bf16 v34, v27;
	v23 =	vshll.u32 v45, $0x5;
	v22 =	vmax.bf16 v20, v41;
	v31 =	vld.idx.msk [tilespmem:v31+s14+$0x0], $0xffff  }
0x90: {  	v34 =	vperm.xlane v23, v6;
	v20 =	vperm.xlane v23, v14;
	v22 =	vmax.bf16 v22, v46;
	v41 =	vld.idx.msk [tilespmem:v50+s14+$0x0], $0xffff  }
0x91: {  	v45 =	vperm.xlane v23, v4;
	v46 =	vperm.xlane v23, v10;
	v35 =	vmax.bf16 v22, v36;
	v36 =	vld.idx.msk [tilespmem:v48+s14+$0x0], $0xffff  }
0x92: {  	v22 =	vperm.xlane v23, v13;
	v48 =	vadd.s32 v0, v20;
	v27 =	vmax.bf16 v27, v29;
	v50 =	vld.idx.msk [tilespmem:v38+s14+$0x0], $0xffff  }
0x93: {  	v51 =	vadd.s32 v0, v46;
	v38 =	vadd.s32 v5, v45;
	v25 =	vmax.bf16 v27, v25;
	v44 =	vld.idx.msk [tilespmem:v44+s14+$0x0], $0xffff  }
0x94: {  	v52 =	vadd.s32 v0, v34;
	v27 =	vperm.xlane v23, v7;
	v25 =	vmax.bf16 v25, v26;
	v26 =	vld.idx.msk [tilespmem:v30+s14+$0x0], $0xffff  }
0x95: {  	v29 =	vadd.s32 v5, v34;
	v25 =	vmax.bf16 v25, v28;
	v28 =	vmax.bf16 v35, v31;
	v34 =	vld.idx.msk [tilespmem:v24+s14+$0x0], $0xffff  }
0x96: {  	v30 =	vadd.s32 v0, v27;
	v31 =	vperm.xlane v23, v8;
	v24 =	vmax.bf16 v25, v39;
	v33 =	vld.idx.msk [tilespmem:v33+s14+$0x0], $0xffff  }
0x97: {  	v25 =	vadd.s32 v5, v27;
	v28 =	vmax.bf16 v28, v19;
	v27 =	vmax.bf16 v24, v40;
	v19 =	vld.idx.msk [tilespmem:v48+s14+$0x0], $0xffff  }
0x98: {  	v39 =	vperm.xlane v23, v9;
	v35 =	vadd.s32 v0, v31;
	v37 =	vmax.bf16 v27, v37;
	v24 =	vld.idx.msk [tilespmem:v51+s14+$0x0], $0xffff  }
0x99: {  	v40 =	vadd.s32 v5, v31;
	v28 =	vmax.bf16 v28, v32;
	v37 =	vmax.bf16 v37, v42;
	v27 =	vld.idx.msk [tilespmem:v38+s14+$0x0], $0xffff  }
0x9a: {  	v48 =	vperm.xlane v23, v3;
	v42 =	vadd.s32 v0, v39;
	v32 =	vmax.bf16 v37, v43;
	v31 =	vld.idx.msk [tilespmem:v52+s14+$0x0], $0xffff  }
0x9b: {  	v37 =	vadd.s32 v5, v39;
	v26 =	vmax.bf16 v28, v26;
	v32 =	vmax.bf16 v32, v34;
	v30 =	vld.idx.msk [tilespmem:v30+s14+$0x0], $0xffff  }
.Ltmp1:
0x9c: {  	v38 =	vadd.s32 v0, v48;
	v26 =	vmax.bf16 v26, v36;
	v28 =	vmax.bf16 v32, v33;
	v25 =	vld.idx.msk [tilespmem:v25+s14+$0x0], $0xffff;
	(pc) =	sbr.rel @p0 .LBB2_5-.Ltmp1, $4  }
0x9d: {  	v39 =	vadd.s32 v5, v48;
	v28 =	vmax.bf16 v28, v44;
	v32 =	vld.idx.msk [tilespmem:v35+s14+$0x0], $0xffff;
	v35 =	vmax.bf16 v26, v50  }
0x9e: {  	v36 =	vadd.s32 v0, v45;
	v34 =	vperm.xlane v23, v2;
	v28 =	vmax.bf16 v28, v41;
	v26 =	vld.idx.msk [tilespmem:v40+s14+$0x0], $0xffff  }
0x9f: {  	v40 =	vadd.s32 v5, v46;
	v43 =	vmax.bf16 v28, v49;
	v33 =	vld.idx.msk [tilespmem:v42+s14+$0x0], $0xffff;
	v42 =	vperm.xlane v23, v11  }
0xa0: {  	v41 =	vadd.s32 v0, v34;
	v28 =	vld.idx.msk [tilespmem:v37+s14+$0x0], $0xffff;
	v37 =	vadd.s32 v5, v34;
	v34 =	vmax.bf16 v43, v47  }
0xa1: {  	_ =	sdelay $0x3  }
0xa2: {  	v21 =	vld.idx.msk [tilespmem:v38+s14+$0x0], $0xffff  }
0xa3: {  	v38 =	vld.idx.msk [tilespmem:v39+s14+$0x0], $0xffff  }
0xa4: {  	v59 =	vadd.s32 v0, v42;
	v36 =	vld.idx.msk [tilespmem:v36+s14+$0x0], $0xffff  }
0xa5: {  	v60 =	vadd.s32 v5, v42;
	v40 =	vld.idx.msk [tilespmem:v40+s14+$0x0], $0xffff  }
0xa6: {  	v44 =	vperm.xlane v23, v15;
	v41 =	vld.idx.msk [tilespmem:v41+s14+$0x0], $0xffff;
	v50 =	vadd.s32 v0, v22  }
0xa7: {  	v43 =	vperm.xlane v23, v12;
	v37 =	vld.idx.msk [tilespmem:v37+s14+$0x0], $0xffff;
	v20 =	vadd.s32 v5, v20  }
0xa8: {  	v29 =	vld.idx.msk [tilespmem:v29+s14+$0x0], $0xffff;
	v47 =	vadd.s32 v0, v44  }
0xa9: {  	v46 =	vperm.xlane v23, v17;
	v45 =	vadd.s32 v0, v43;
	v39 =	vld.idx.msk [tilespmem:v59+s14+$0x0], $0xffff  }
0xaa: {  	v48 =	vperm.xlane v23, v16;
	v43 =	vadd.s32 v5, v43;
	v42 =	vld.idx.msk [tilespmem:v60+s14+$0x0], $0xffff  }
0xab: {  	v49 =	vadd.s32 v5, v46;
	v54 =	vld.idx.msk [tilespmem:v50+s14+$0x0], $0xffff  }
0xac: {  	v27 =	vmax.bf16 v34, v27;
	v61 =	vadd.s32 v5, v48;
	v35 =	vmax.bf16 v35, v36;
	v20 =	vld.idx.msk [tilespmem:v20+s14+$0x0], $0xffff  }
0xad: {  	v62 =	vadd.s32 v5, v44;
	v31 =	vmax.bf16 v35, v31;
	v44 =	vld.idx.msk [tilespmem:v47+s14+$0x0], $0xffff;
	v47 =	vadd.s32 v5, v22  }
0xae: {  	v63 =	vperm.xlane v23, v18;
	v27 =	vmax.bf16 v27, v29;
	v36 =	vld.idx.msk [tilespmem:v45+s14+$0x0], $0xffff;
	v30 =	vmax.bf16 v31, v30  }
0xaf: {  	v53 =	vadd.s32 v0, v48;
	v25 =	vmax.bf16 v27, v25;
	v35 =	vld.idx.msk [tilespmem:v43+s14+$0x0], $0xffff;
	v52 =	vmax.bf16 v30, v32  }
0xb0: {  	v56 =	vadd.s32 v0, v46;
	v51 =	vld.idx.msk [tilespmem:v49+s14+$0x0], $0xffff;
	v25 =	vmax.bf16 v25, v26;
	v55 =	vmax.bf16 v52, v33  }
0xb1: {  	v58 =	vadd.s32 v0, v63;
	v57 =	vld.idx.msk [tilespmem:v61+s14+$0x0], $0xffff;
	v25 =	vmax.bf16 v25, v28;
	v21 =	vmax.bf16 v55, v21  }
0xb2: {  	v23 =	vadd.s32 v5, v63;
	v60 =	vmax.bf16 v25, v38;
	v21 =	vmax.bf16 v21, v24;
	v22 =	vld.idx.msk [tilespmem:v47+s14+$0x0], $0xffff  }
0xb3: {  	v59 =	vld.idx.msk [tilespmem:v62+s14+$0x0], $0xffff;
	v24 =	vmax.bf16 v60, v40;
	v21 =	vmax.bf16 v21, v41  }
0xb4: {  	v61 =	vld.idx.msk [tilespmem:v53+s14+$0x0], $0xffff;
	v24 =	vmax.bf16 v24, v37;
	v21 =	vmax.bf16 v21, v39  }
0xb5: {  	v62 =	vld.idx.msk [tilespmem:v56+s14+$0x0], $0xffff;
	v24 =	vmax.bf16 v24, v42;
	v21 =	vmax.bf16 v21, v36  }
0xb6: {  	v26 =	vld.idx.msk [tilespmem:v58+s14+$0x0], $0xffff;
	v24 =	vmax.bf16 v24, v35;
	v21 =	vmax.bf16 v21, v54  }
0xb7: {  	s19 =	sshll.u32 s18, $0x7;
	s18 =	sadd.s32 $0x1, s18;
	v23 =	vld.idx.msk [tilespmem:v23+s14+$0x0], $0xffff;
	v19 =	vmax.bf16 v21, v19;
	v63 =	vmax.bf16 v24, v22  }
0xb8: {  	p0 =	sne.s32 s18, $0x80;
	v19 =	vmax.bf16 v19, v44;
	v20 =	vmax.bf16 v63, v20  }
.Ltmp2:
0xb9: {  	v19 =	vmax.bf16 v19, v61;
	v20 =	vmax.bf16 v20, v59;
	(pc) =	sbr.rel @p0 .LBB2_4-.Ltmp2, $4  }
0xba: {  	v19 =	vmax.bf16 v19, v62;
	v20 =	vmax.bf16 v20, v57  }
0xbb: {  	s19 =	sand.u32 $0x3FFFFF80, s19;
	v19 =	vmax.bf16 v19, v26;
	v20 =	vmax.bf16 v20, v51  }
0xbc: {  	[tilespmem:s19+$0x10400] =	vst v19;
	v20 =	vmax.bf16 v20, v23  }
0xbd: {  	[tilespmem:s19+$0x10410] =	vst v20  }
0xbe: {  	s16 =	sadd.s32 $0x1, s16  }
0xbf: {  	p0 =	sne.s32 s16, s8  }
.Ltmp3:
0xc0: {  	_ = 	snop;
	(pc) =	sbr.rel @p0 .LBB2_1-.Ltmp3, $4  }
0xc1: {  	[hbm4b:s7+s3] =	stream.linear.scatter [tilespmem:s13], [sflag:$0x2], $0x4000, $0x38;
	[tilespmem:$0x14C00] =	vst v63  }
0xc2: {  	_ =	swait.ge [sflag:s12], $0x4000  }
0xc3: {  	[sflag:s12] =	ssyncset.done $0x0  }
0xc4: {  	[sflag:s12] =	ssyncadd.s32 $0xFFFFC000  }
0xc5: {  	_ =	sfence.sel $0x180000  }
0xc6: {  	[bflag:$0x0] =	sbarrier.arrive $0xFFFF  }
0xc7: {  	p0 =	sne.s32 s1, $0x0;
	_ =	strace $0x90000047  }
0xc8: {  	s0 =	sadd.s32 @!p0 $0x100000, s0;
	[bflag:$0x2] =	sbarrier.arrive $0xFFFF  }
0xc9: {  	[sflag:s0] =	ssyncadd.tile.s32 @!p0 $0x1;
	_ =	shalt  }
.Lfunc_end2:
_tile_overlayer_lowered:
.L_overlay_start_2:
0xca: {  	(tag) =	ssettag $0x2  }
0xcb: {  	s0 =	rddreg [dreg:$0x0];
	s2 =	stileid.u32  }
0xcc: {  	s1 =	rddreg [dreg:$0x1];
	p0 =	sne.s32 s2, $0x0  }
0xcd: {  	s3 =	rddreg [dreg:$0x2];
	[bflag:$0x3] =	sbarrier.arrive $0xFFFF;
	s2 =	simm.s32 @!p0 $0x1C02  }
0xce: {  	[timem:s3], [sflag:s2] =	dma.local @!p0 [hbm:s0], s1  }
0xcf: {  	s0 =	simm.s32 @!p0 $0x2  }
0xd0: {  	_ =	swait.ge @!p0 [sflag:s0], s1  }
0xd1: {  	s1 =	ssub.s32 @!p0 $0x0, s1;
	[sflag:s0] =	ssyncset.done @!p0 $0x0  }
0xd2: {  	[sflag:s0] =	ssyncadd.s32 @!p0 s1  }
0xd3: {  	[bflag:$0x3] =	sbarrier.arrive $0xFFFF  }
0xd4: {  	_ =	shalt  }

</sc_bundles>
